<compile_context>
chip_gen: v7x
topology: tpu7x:2x2x1
jax: 0.10.2.dev20260603
libtpu: 0.0.44.dev20260713+nightly
codegen_flags: <defaults>
</compile_context>

<pallas_src>
import jax
import jax.numpy as jnp
from jax import lax
from jax.experimental import pallas as pl
from jax.experimental.pallas import tpu as pltpu
from jax.experimental.pallas import tpu_sc as plsc

D = 512
B = 64
E = 8192
N = B * E
NC = 2
NS = 16
NW = NC * NS
ROWS = D // NW
L = 16
KR = D + 1
KSTRIDE = KR * B
W = 1024
WPAD = W + 16
SBPAD = 544
HWORDS = KR * L


def _keys_body(ei, m32, k1, k2, h1, h2,
               sbuf, dbuf, mbuf, k1buf, k2buf, h1buf, h2buf):
    c = lax.axis_index("c")
    s = lax.axis_index("s")
    wid = s * NC + c
    iota = lax.iota(jnp.int32, L)
    ones = jnp.ones((L,), jnp.int32)

    def zhist(i, carry):
        h1buf[pl.ds(i * L, L)] = jnp.zeros((L,), jnp.int32)
        h2buf[pl.ds(i * L, L)] = jnp.zeros((L,), jnp.int32)
        return carry

    lax.fori_loop(0, HWORDS // L, zhist, 0)

    for sb in range(2):
        b = wid * 2 + sb
        pltpu.sync_copy(ei.at[b, 0], sbuf)
        pltpu.sync_copy(ei.at[b, 1], dbuf)
        pltpu.sync_copy(m32.at[b], mbuf)
        bk = b * KR

        def chunk(j, carry):
            sl = pl.ds(j * L, L)
            sv = sbuf[sl]
            dv = dbuf[sl]
            mv = mbuf[sl]
            valid = mv != 0
            sr = jnp.where(valid, sv, D)
            dr = jnp.where(valid, dv, D)
            k1buf[sl] = sr * KSTRIDE + bk + dr
            k2buf[sl] = dr * KSTRIDE + bk + sr
            plsc.addupdate_scatter(h1buf, [sr * L + iota], ones)
            plsc.addupdate_scatter(h2buf, [dr * L + iota], ones)
            return carry

        lax.fori_loop(0, E // L, chunk, 0)
        pltpu.sync_copy(k1buf, k1.at[pl.ds(b * E, E)])
        pltpu.sync_copy(k2buf, k2.at[pl.ds(b * E, E)])
    pltpu.sync_copy(h1buf, h1.at[wid])
    pltpu.sync_copy(h2buf, h2.at[wid])


def _scatter_body(ks1, vs1, ks2, vs2, sb1, sb2, out,
                  bv1, bv2, slab, kwin, vwin, sem):
    c = lax.axis_index("c")
    s = lax.axis_index("s")
    wid = s * NC + c
    iota = lax.iota(jnp.int32, L)

    pltpu.sync_copy(sb1.at[pl.ds(wid * ROWS, 24)], bv1)
    pltpu.sync_copy(sb2.at[pl.ds(wid * ROWS, 24)], bv2)
    va1, vb1 = bv1[pl.ds(0, L)], bv1[pl.ds(8, L)]
    va2, vb2 = bv2[pl.ds(0, L)], bv2[pl.ds(8, L)]

    def row_body(rl, carry):
        r = wid * ROWS + rl
        rkey = r * KSTRIDE

        def zrow(bb, carry2):
            for j in range(D // L):
                slab[bb, pl.ds(j * L, L)] = jnp.zeros((L,), jnp.float32)
            return carry2

        lax.fori_loop(0, B, zrow, 0)

        for va, vb, ks, vs in ((va1, vb1, ks1, vs1), (va2, vb2, ks2, vs2)):
            seg_s = jnp.sum(jnp.where(iota == rl, va, 0))
            seg_e = (jnp.sum(jnp.where(iota == rl + 1, va, 0))
                     + jnp.sum(jnp.where((iota == 8) & (rl == 15), vb, 0)))
            astart = (seg_s // 8) * 8
            nwin = jnp.maximum(seg_e - astart + (W - 1), 0) // W

            def win_body(wi, carry2, ks=ks, vs=vs, seg_s=seg_s, seg_e=seg_e,
                         astart=astart, rkey=rkey):
                wstart = astart + wi * W
                pltpu.sync_copy(ks.at[pl.ds(wstart, WPAD)], kwin)
                pltpu.sync_copy(vs.at[pl.ds(wstart, WPAD)], vwin)

                def chunk(j, carry3, wstart=wstart, seg_s=seg_s,
                          seg_e=seg_e, rkey=rkey):
                    base = j * L
                    kv = kwin[pl.ds(base, L)]
                    kn = plsc.load_gather(kwin, [base + 1 + iota])
                    vv = vwin[pl.ds(base, L)]
                    pos = wstart + base + iota
                    valid = (pos >= seg_s) & (pos < seg_e) & (kv != kn)
                    rem = kv - rkey
                    bb = jnp.right_shift(rem * 16353, 23)
                    bb = jnp.minimum(jnp.maximum(bb, 0), B - 1)
                    cc = rem - bb * KR
                    cc = jnp.minimum(jnp.maximum(cc, 0), D - 1)
                    plsc.store_scatter(slab, [bb, cc], vv, mask=valid)
                    return carry3

                lax.fori_loop(0, W // L, chunk, 0)
                return carry2

            lax.fori_loop(0, nwin, win_body, 0)

        def fire(bb, carry2, r=r):
            pltpu.async_copy(slab.at[bb],
                             out.at[pl.ds(bb * (D * D) + r * D, D)], sem)
            return carry2

        lax.fori_loop(0, B, fire, 0)

        def drain(bb, carry2):
            pltpu.make_async_copy(out.at[pl.ds(0, D)], slab.at[0], sem).wait()
            return carry2

        lax.fori_loop(0, B, drain, 0)
        return carry

    lax.fori_loop(0, ROWS, row_body, 0)


_MESH = plsc.VectorSubcoreMesh(core_axis_name="c", subcore_axis_name="s",
                               num_cores=NC, num_subcores=NS)
_PARAMS = pltpu.CompilerParams(use_tc_tiling_on_sc=False,
                               needs_layout_passes=False)

_keys_kernel = pl.kernel(
    _keys_body,
    out_type=(jax.ShapeDtypeStruct((N,), jnp.int32),
              jax.ShapeDtypeStruct((N,), jnp.int32),
              jax.ShapeDtypeStruct((NW, HWORDS), jnp.int32),
              jax.ShapeDtypeStruct((NW, HWORDS), jnp.int32)),
    mesh=_MESH,
    compiler_params=_PARAMS,
    scratch_types=[
        pltpu.VMEM((E,), jnp.int32),
        pltpu.VMEM((E,), jnp.int32),
        pltpu.VMEM((E,), jnp.int32),
        pltpu.VMEM((E,), jnp.int32),
        pltpu.VMEM((E,), jnp.int32),
        pltpu.VMEM((HWORDS,), jnp.int32),
        pltpu.VMEM((HWORDS,), jnp.int32),
    ],
)

_scatter_kernel = pl.kernel(
    _scatter_body,
    out_type=jax.ShapeDtypeStruct((B * D * D,), jnp.float32),
    mesh=_MESH,
    compiler_params=_PARAMS,
    scratch_types=[
        pltpu.VMEM((24,), jnp.int32),
        pltpu.VMEM((24,), jnp.int32),
        pltpu.VMEM((B, D), jnp.float32),
        pltpu.VMEM((WPAD,), jnp.int32),
        pltpu.VMEM((WPAD,), jnp.float32),
        pltpu.SemaphoreType.DMA,
    ],
)


@jax.jit
def kernel(edge_index, edge_weight, edge_mask):
    m32 = edge_mask.astype(jnp.int32)
    k1, k2, h1, h2 = _keys_kernel(edge_index, m32)
    vflat = edge_weight.reshape(-1)
    ks1, vs1 = lax.sort((k1, vflat), num_keys=1, is_stable=False)
    ks2, vs2 = lax.sort((k2, vflat), num_keys=1, is_stable=False)

    zero1 = jnp.zeros((1,), jnp.int32)
    c1 = h1.reshape(NW, KR, L).sum(axis=(0, 2), dtype=jnp.int32)
    c2 = h2.reshape(NW, KR, L).sum(axis=(0, 2), dtype=jnp.int32)
    S1 = jnp.concatenate([zero1, jnp.cumsum(c1[:D], dtype=jnp.int32)])
    S2 = jnp.concatenate([zero1, jnp.cumsum(c2[:D], dtype=jnp.int32)])
    sb_pad = jnp.full((SBPAD - (D + 1),), N, jnp.int32)

    kpad = jnp.full((WPAD,), jnp.iinfo(jnp.int32).max, jnp.int32)
    vpad = jnp.zeros((WPAD,), jnp.float32)
    out = _scatter_kernel(
        jnp.concatenate([ks1, kpad]), jnp.concatenate([vs1, vpad]),
        jnp.concatenate([ks2, kpad]), jnp.concatenate([vs2, vpad]),
        jnp.concatenate([S1, sb_pad]), jnp.concatenate([S2, sb_pad]))
    return out.reshape(B, D, D)

# --- scband reference (transcript-rebuilt; emitter-appended) ---
"""Pipeline reference for scband-flow-matrix-extractor-37391985279266 (READ-ONLY COPY).

The authoritative reference and input builder live on the scoring server;
editing this copy changes nothing except your own understanding.
"""

import jax, jax.numpy as jnp
import numpy as np

MAX_DEPTS = 512
BATCH = 64
E = 8192

def setup_inputs(seed: int = 0) -> dict:
    key = jax.random.key(seed)
    k1, k2, k3 = jax.random.split(key, 3)
    edge_index = jax.random.randint(k1, (BATCH, 2, E), 0, MAX_DEPTS, dtype=jnp.int64 if jax.config.jax_enable_x64 else jnp.int32).astype(jnp.int32)
    edge_weight = jax.random.uniform(k2, (BATCH, E), dtype=jnp.float32)
    edge_mask = jax.random.randint(k3, (BATCH, E), 0, 2).astype(jnp.bool_)
    return {"edge_index": edge_index, "edge_weight": edge_weight, "edge_mask": edge_mask}

def reference(edge_index, edge_weight, edge_mask):
    B, _, Eloc = edge_index.shape
    mask = edge_mask.astype(jnp.bool_)
    src = edge_index[:, 0, :]
    dst = edge_index[:, 1, :]
    # Redirect masked-out edges to a padding row/col (index MAX_DEPTS) so that
    # scatter-overwrite of invalid edges never touches the real matrix.
    src_r = jnp.where(mask, src, MAX_DEPTS)
    dst_r = jnp.where(mask, dst, MAX_DEPTS)
    b_idx = jnp.broadcast_to(jnp.arange(B)[:, None], (B, Eloc))
    flow = jnp.zeros((B, MAX_DEPTS + 1, MAX_DEPTS + 1), dtype=edge_weight.dtype)
    # flow_matrix[b, src, dst] = valid_ew  (scatter-overwrite)
    flow = flow.at[b_idx, src_r, dst_r].set(edge_weight)
    # flow_matrix[b, dst, src] = valid_ew  (symmetric write, done second like torch)
    flow = flow.at[b_idx, dst_r, src_r].set(edge_weight)
    return flow[:, :MAX_DEPTS, :MAX_DEPTS]

if __name__ == "__main__":
    import jax
    _d = setup_inputs()
    print(jax.jit(kernel)(*tuple(_d.values())))

</pallas_src>

<mosaic_0001>
#map = affine_map<(d0, d1) -> (0)>
module attributes {stable_mosaic.version = 14 : i64} {
  func.func @_scatter_body(%arg0: i32, %arg1: i32, %arg2: memref<525328xi32, #tpu.memory_space<hbm>>, %arg3: memref<525328xf32, #tpu.memory_space<hbm>>, %arg4: memref<525328xi32, #tpu.memory_space<hbm>>, %arg5: memref<525328xf32, #tpu.memory_space<hbm>>, %arg6: memref<544xi32, #tpu.memory_space<hbm>>, %arg7: memref<544xi32, #tpu.memory_space<hbm>>, %arg8: memref<16777216xf32, #tpu.memory_space<hbm>>, %arg9: memref<24xi32, #tpu.memory_space<vmem>>, %arg10: memref<24xi32, #tpu.memory_space<vmem>>, %arg11: memref<64x512xf32, #tpu.memory_space<vmem>>, %arg12: memref<1040xi32, #tpu.memory_space<vmem>>, %arg13: memref<1040xf32, #tpu.memory_space<vmem>>, %arg14: memref<!tpu.dma_semaphore, #tpu.memory_space<semaphore_mem>>) attributes {dimension_semantics = [#tpu.dimension_semantics<core_parallel>, #tpu.dimension_semantics<subcore_parallel>], iteration_bounds = array<i64: 2, 16>, scalar_prefetch = 0 : i64, scratch_operands = 6 : i64, tpu.core_type = #tpu.core_type<sc_vector_subcore>, window_params = [{transform_indices = #map}, {transform_indices = #map}, {transform_indices = #map}, {transform_indices = #map}, {transform_indices = #map}, {transform_indices = #map}, {transform_indices = #map}]} {
    %mul3A = arith.constant 2 : i32
    %mul3A_0 = arith.muli %arg1, %mul3A : i32
    %add3A = arith.addi %mul3A_0, %arg0 : i32
    %iota3A = tpu.iota {dimensions = array<i32: 0>} : vector<16xi32>
    %mul3A_1 = arith.constant 16 : i32
    %mul3A_2 = arith.muli %add3A, %mul3A_1 : i32
    "tpu.region"() ({
      %run_scoped3A = tpu.sem_alloc : memref<!tpu.dma_semaphore, #tpu.memory_space<semaphore_mem>>
      %dma_start3A = tpu.memref_slice %arg6[%mul3A_2] : memref<544xi32, #tpu.memory_space<hbm>> -> memref<24xi32, #tpu.memory_space<hbm>>
      %dma_start3A_17 = tpu.memref_slice %arg6[%mul3A_2] : memref<544xi32, #tpu.memory_space<hbm>> -> memref<24xi32, #tpu.memory_space<hbm>>
      tpu.enqueue_dma source(%dma_start3A_17 : memref<24xi32, #tpu.memory_space<hbm>>) target(%arg9 : memref<24xi32, #tpu.memory_space<vmem>>) target_semaphore(%run_scoped3A : memref<!tpu.dma_semaphore, #tpu.memory_space<semaphore_mem>>)
      %dma_wait3A = tpu.memref_slice %arg6[%mul3A_2] : memref<544xi32, #tpu.memory_space<hbm>> -> memref<24xi32, #tpu.memory_space<hbm>>
      %dma_wait3A_18 = tpu.memref_slice %arg6[%mul3A_2] : memref<544xi32, #tpu.memory_space<hbm>> -> memref<24xi32, #tpu.memory_space<hbm>>
      tpu.wait_dma2 semaphore(%run_scoped3A : memref<!tpu.dma_semaphore, #tpu.memory_space<semaphore_mem>>) src(%dma_wait3A_18 : memref<24xi32, #tpu.memory_space<hbm>>) dst(%arg9 : memref<24xi32, #tpu.memory_space<vmem>>)
      tpu.yield
    }) : () -> ()
    %mul3A_3 = arith.constant 16 : i32
    %mul3A_4 = arith.muli %add3A, %mul3A_3 : i32
    "tpu.region"() ({
      %run_scoped3A = tpu.sem_alloc : memref<!tpu.dma_semaphore, #tpu.memory_space<semaphore_mem>>
      %dma_start3A = tpu.memref_slice %arg7[%mul3A_4] : memref<544xi32, #tpu.memory_space<hbm>> -> memref<24xi32, #tpu.memory_space<hbm>>
      %dma_start3A_17 = tpu.memref_slice %arg7[%mul3A_4] : memref<544xi32, #tpu.memory_space<hbm>> -> memref<24xi32, #tpu.memory_space<hbm>>
      tpu.enqueue_dma source(%dma_start3A_17 : memref<24xi32, #tpu.memory_space<hbm>>) target(%arg10 : memref<24xi32, #tpu.memory_space<vmem>>) target_semaphore(%run_scoped3A : memref<!tpu.dma_semaphore, #tpu.memory_space<semaphore_mem>>)
      %dma_wait3A = tpu.memref_slice %arg7[%mul3A_4] : memref<544xi32, #tpu.memory_space<hbm>> -> memref<24xi32, #tpu.memory_space<hbm>>
      %dma_wait3A_18 = tpu.memref_slice %arg7[%mul3A_4] : memref<544xi32, #tpu.memory_space<hbm>> -> memref<24xi32, #tpu.memory_space<hbm>>
      tpu.wait_dma2 semaphore(%run_scoped3A : memref<!tpu.dma_semaphore, #tpu.memory_space<semaphore_mem>>) src(%dma_wait3A_18 : memref<24xi32, #tpu.memory_space<hbm>>) dst(%arg10 : memref<24xi32, #tpu.memory_space<vmem>>)
      tpu.yield
    }) : () -> ()
    %get3A = arith.constant 0 : index
    %get3A_5 = tpu.vector_load %arg9[%get3A] {strides = array<i32>} : memref<24xi32, #tpu.memory_space<vmem>>, vector<16xi32>,
    %get3A_6 = arith.constant 8 : index
    %get3A_7 = tpu.vector_load %arg9[%get3A_6] {strides = array<i32>} : memref<24xi32, #tpu.memory_space<vmem>>, vector<16xi32>,
    %get3A_8 = arith.constant 0 : index
    %get3A_9 = tpu.vector_load %arg10[%get3A_8] {strides = array<i32>} : memref<24xi32, #tpu.memory_space<vmem>>, vector<16xi32>,
    %get3A_10 = arith.constant 8 : index
    %get3A_11 = tpu.vector_load %arg10[%get3A_10] {strides = array<i32>} : memref<24xi32, #tpu.memory_space<vmem>>, vector<16xi32>,
    %scan3A = arith.constant 0 : i32
    %scan3A_12 = arith.constant 0 : i32
    %scan3A_13 = arith.constant 16 : i32
    %scan3A_14 = arith.addi %scan3A_12, %scan3A_13 : i32
    %scan3A_15 = arith.constant 1 : i32
    scf.for %scan3A_17 = %scan3A_12 to %scan3A_14 step %scan3A_15  : i32 {
      %mul3A_18 = arith.constant 16 : i32
      %mul3A_19 = arith.muli %add3A, %mul3A_18 : i32
      %add3A_20 = arith.addi %mul3A_19, %scan3A_17 : i32
      %mul3A_21 = arith.constant 32832 : i32
      %mul3A_22 = arith.muli %add3A_20, %mul3A_21 : i32
      %scan3A_23 = arith.constant 0 : i32
      %scan3A_24 = arith.constant 0 : i32
      %scan3A_25 = arith.constant 64 : i32
      %scan3A_26 = arith.addi %scan3A_24, %scan3A_25 : i32
      %scan3A_27 = arith.constant 1 : i32
      scf.for %scan3A_228 = %scan3A_24 to %scan3A_26 step %scan3A_27  : i32 {
        %broadcast_in_dim3A_229 = arith.constant 0.000000e+00 : f32
        %broadcast_in_dim3A_230 = vector.broadcast %broadcast_in_dim3A_229 : f32 to vector<16xf32>
        %swap3A = arith.index_cast %scan3A_228 : i32 to index
        %swap3A_231 = arith.constant 0 : index
        %swap3A_232 = tpu.vector_load %arg11[%swap3A, %swap3A_231] {strides = array<i32>} : memref<64x512xf32, #tpu.memory_space<vmem>>, vector<16xf32>,
        tpu.vector_store %arg11[%swap3A, %swap3A_231], %broadcast_in_dim3A_230 {strides = array<i32>} : memref<64x512xf32, #tpu.memory_space<vmem>>, vector<16xf32>,
        %broadcast_in_dim3A_233 = arith.constant 0.000000e+00 : f32
        %broadcast_in_dim3A_234 = vector.broadcast %broadcast_in_dim3A_233 : f32 to vector<16xf32>
        %swap3A_235 = arith.index_cast %scan3A_228 : i32 to index
        %swap3A_236 = arith.constant 16 : index
        %swap3A_237 = tpu.vector_load %arg11[%swap3A_235, %swap3A_236] {strides = array<i32>} : memref<64x512xf32, #tpu.memory_space<vmem>>, vector<16xf32>,
        tpu.vector_store %arg11[%swap3A_235, %swap3A_236], %broadcast_in_dim3A_234 {strides = array<i32>} : memref<64x512xf32, #tpu.memory_space<vmem>>, vector<16xf32>,
        %broadcast_in_dim3A_238 = arith.constant 0.000000e+00 : f32
        %broadcast_in_dim3A_239 = vector.broadcast %broadcast_in_dim3A_238 : f32 to vector<16xf32>
        %swap3A_240 = arith.index_cast %scan3A_228 : i32 to index
        %swap3A_241 = arith.constant 32 : index
        %swap3A_242 = tpu.vector_load %arg11[%swap3A_240, %swap3A_241] {strides = array<i32>} : memref<64x512xf32, #tpu.memory_space<vmem>>, vector<16xf32>,
        tpu.vector_store %arg11[%swap3A_240, %swap3A_241], %broadcast_in_dim3A_239 {strides = array<i32>} : memref<64x512xf32, #tpu.memory_space<vmem>>, vector<16xf32>,
        %broadcast_in_dim3A_243 = arith.constant 0.000000e+00 : f32
        %broadcast_in_dim3A_244 = vector.broadcast %broadcast_in_dim3A_243 : f32 to vector<16xf32>
        %swap3A_245 = arith.index_cast %scan3A_228 : i32 to index
        %swap3A_246 = arith.constant 48 : index
        %swap3A_247 = tpu.vector_load %arg11[%swap3A_245, %swap3A_246] {strides = array<i32>} : memref<64x512xf32, #tpu.memory_space<vmem>>, vector<16xf32>,
        tpu.vector_store %arg11[%swap3A_245, %swap3A_246], %broadcast_in_dim3A_244 {strides = array<i32>} : memref<64x512xf32, #tpu.memory_space<vmem>>, vector<16xf32>,
        %broadcast_in_dim3A_248 = arith.constant 0.000000e+00 : f32
        %broadcast_in_dim3A_249 = vector.broadcast %broadcast_in_dim3A_248 : f32 to vector<16xf32>
        %swap3A_250 = arith.index_cast %scan3A_228 : i32 to index
        %swap3A_251 = arith.constant 64 : index
        %swap3A_252 = tpu.vector_load %arg11[%swap3A_250, %swap3A_251] {strides = array<i32>} : memref<64x512xf32, #tpu.memory_space<vmem>>, vector<16xf32>,
        tpu.vector_store %arg11[%swap3A_250, %swap3A_251], %broadcast_in_dim3A_249 {strides = array<i32>} : memref<64x512xf32, #tpu.memory_space<vmem>>, vector<16xf32>,
        %broadcast_in_dim3A_253 = arith.constant 0.000000e+00 : f32
        %broadcast_in_dim3A_254 = vector.broadcast %broadcast_in_dim3A_253 : f32 to vector<16xf32>
        %swap3A_255 = arith.index_cast %scan3A_228 : i32 to index
        %swap3A_256 = arith.constant 80 : index
        %swap3A_257 = tpu.vector_load %arg11[%swap3A_255, %swap3A_256] {strides = array<i32>} : memref<64x512xf32, #tpu.memory_space<vmem>>, vector<16xf32>,
        tpu.vector_store %arg11[%swap3A_255, %swap3A_256], %broadcast_in_dim3A_254 {strides = array<i32>} : memref<64x512xf32, #tpu.memory_space<vmem>>, vector<16xf32>,
        %broadcast_in_dim3A_258 = arith.constant 0.000000e+00 : f32
        %broadcast_in_dim3A_259 = vector.broadcast %broadcast_in_dim3A_258 : f32 to vector<16xf32>
        %swap3A_260 = arith.index_cast %scan3A_228 : i32 to index
        %swap3A_261 = arith.constant 96 : index
        %swap3A_262 = tpu.vector_load %arg11[%swap3A_260, %swap3A_261] {strides = array<i32>} : memref<64x512xf32, #tpu.memory_space<vmem>>, vector<16xf32>,
        tpu.vector_store %arg11[%swap3A_260, %swap3A_261], %broadcast_in_dim3A_259 {strides = array<i32>} : memref<64x512xf32, #tpu.memory_space<vmem>>, vector<16xf32>,
        %broadcast_in_dim3A_263 = arith.constant 0.000000e+00 : f32
        %broadcast_in_dim3A_264 = vector.broadcast %broadcast_in_dim3A_263 : f32 to vector<16xf32>
        %swap3A_265 = arith.index_cast %scan3A_228 : i32 to index
        %swap3A_266 = arith.constant 112 : index
        %swap3A_267 = tpu.vector_load %arg11[%swap3A_265, %swap3A_266] {strides = array<i32>} : memref<64x512xf32, #tpu.memory_space<vmem>>, vector<16xf32>,
        tpu.vector_store %arg11[%swap3A_265, %swap3A_266], %broadcast_in_dim3A_264 {strides = array<i32>} : memref<64x512xf32, #tpu.memory_space<vmem>>, vector<16xf32>,
        %broadcast_in_dim3A_268 = arith.constant 0.000000e+00 : f32
        %broadcast_in_dim3A_269 = vector.broadcast %broadcast_in_dim3A_268 : f32 to vector<16xf32>
        %swap3A_270 = arith.index_cast %scan3A_228 : i32 to index
        %swap3A_271 = arith.constant 128 : index
        %swap3A_272 = tpu.vector_load %arg11[%swap3A_270, %swap3A_271] {strides = array<i32>} : memref<64x512xf32, #tpu.memory_space<vmem>>, vector<16xf32>,
        tpu.vector_store %arg11[%swap3A_270, %swap3A_271], %broadcast_in_dim3A_269 {strides = array<i32>} : memref<64x512xf32, #tpu.memory_space<vmem>>, vector<16xf32>,
        %broadcast_in_dim3A_273 = arith.constant 0.000000e+00 : f32
        %broadcast_in_dim3A_274 = vector.broadcast %broadcast_in_dim3A_273 : f32 to vector<16xf32>
        %swap3A_275 = arith.index_cast %scan3A_228 : i32 to index
        %swap3A_276 = arith.constant 144 : index
        %swap3A_277 = tpu.vector_load %arg11[%swap3A_275, %swap3A_276] {strides = array<i32>} : memref<64x512xf32, #tpu.memory_space<vmem>>, vector<16xf32>,
        tpu.vector_store %arg11[%swap3A_275, %swap3A_276], %broadcast_in_dim3A_274 {strides = array<i32>} : memref<64x512xf32, #tpu.memory_space<vmem>>, vector<16xf32>,
        %broadcast_in_dim3A_278 = arith.constant 0.000000e+00 : f32
        %broadcast_in_dim3A_279 = vector.broadcast %broadcast_in_dim3A_278 : f32 to vector<16xf32>
        %swap3A_280 = arith.index_cast %scan3A_228 : i32 to index
        %swap3A_281 = arith.constant 160 : index
        %swap3A_282 = tpu.vector_load %arg11[%swap3A_280, %swap3A_281] {strides = array<i32>} : memref<64x512xf32, #tpu.memory_space<vmem>>, vector<16xf32>,
        tpu.vector_store %arg11[%swap3A_280, %swap3A_281], %broadcast_in_dim3A_279 {strides = array<i32>} : memref<64x512xf32, #tpu.memory_space<vmem>>, vector<16xf32>,
        %broadcast_in_dim3A_283 = arith.constant 0.000000e+00 : f32
        %broadcast_in_dim3A_284 = vector.broadcast %broadcast_in_dim3A_283 : f32 to vector<16xf32>
        %swap3A_285 = arith.index_cast %scan3A_228 : i32 to index
        %swap3A_286 = arith.constant 176 : index
        %swap3A_287 = tpu.vector_load %arg11[%swap3A_285, %swap3A_286] {strides = array<i32>} : memref<64x512xf32, #tpu.memory_space<vmem>>, vector<16xf32>,
        tpu.vector_store %arg11[%swap3A_285, %swap3A_286], %broadcast_in_dim3A_284 {strides = array<i32>} : memref<64x512xf32, #tpu.memory_space<vmem>>, vector<16xf32>,
        %broadcast_in_dim3A_288 = arith.constant 0.000000e+00 : f32
        %broadcast_in_dim3A_289 = vector.broadcast %broadcast_in_dim3A_288 : f32 to vector<16xf32>
        %swap3A_290 = arith.index_cast %scan3A_228 : i32 to index
        %swap3A_291 = arith.constant 192 : index
        %swap3A_292 = tpu.vector_load %arg11[%swap3A_290, %swap3A_291] {strides = array<i32>} : memref<64x512xf32, #tpu.memory_space<vmem>>, vector<16xf32>,
        tpu.vector_store %arg11[%swap3A_290, %swap3A_291], %broadcast_in_dim3A_289 {strides = array<i32>} : memref<64x512xf32, #tpu.memory_space<vmem>>, vector<16xf32>,
        %broadcast_in_dim3A_293 = arith.constant 0.000000e+00 : f32
        %broadcast_in_dim3A_294 = vector.broadcast %broadcast_in_dim3A_293 : f32 to vector<16xf32>
        %swap3A_295 = arith.index_cast %scan3A_228 : i32 to index
        %swap3A_296 = arith.constant 208 : index
        %swap3A_297 = tpu.vector_load %arg11[%swap3A_295, %swap3A_296] {strides = array<i32>} : memref<64x512xf32, #tpu.memory_space<vmem>>, vector<16xf32>,
        tpu.vector_store %arg11[%swap3A_295, %swap3A_296], %broadcast_in_dim3A_294 {strides = array<i32>} : memref<64x512xf32, #tpu.memory_space<vmem>>, vector<16xf32>,
        %broadcast_in_dim3A_298 = arith.constant 0.000000e+00 : f32
        %broadcast_in_dim3A_299 = vector.broadcast %broadcast_in_dim3A_298 : f32 to vector<16xf32>
        %swap3A_300 = arith.index_cast %scan3A_228 : i32 to index
        %swap3A_301 = arith.constant 224 : index
        %swap3A_302 = tpu.vector_load %arg11[%swap3A_300, %swap3A_301] {strides = array<i32>} : memref<64x512xf32, #tpu.memory_space<vmem>>, vector<16xf32>,
        tpu.vector_store %arg11[%swap3A_300, %swap3A_301], %broadcast_in_dim3A_299 {strides = array<i32>} : memref<64x512xf32, #tpu.memory_space<vmem>>, vector<16xf32>,
        %broadcast_in_dim3A_303 = arith.constant 0.000000e+00 : f32
        %broadcast_in_dim3A_304 = vector.broadcast %broadcast_in_dim3A_303 : f32 to vector<16xf32>
        %swap3A_305 = arith.index_cast %scan3A_228 : i32 to index
        %swap3A_306 = arith.constant 240 : index
        %swap3A_307 = tpu.vector_load %arg11[%swap3A_305, %swap3A_306] {strides = array<i32>} : memref<64x512xf32, #tpu.memory_space<vmem>>, vector<16xf32>,
        tpu.vector_store %arg11[%swap3A_305, %swap3A_306], %broadcast_in_dim3A_304 {strides = array<i32>} : memref<64x512xf32, #tpu.memory_space<vmem>>, vector<16xf32>,
        %broadcast_in_dim3A_308 = arith.constant 0.000000e+00 : f32
        %broadcast_in_dim3A_309 = vector.broadcast %broadcast_in_dim3A_308 : f32 to vector<16xf32>
        %swap3A_310 = arith.index_cast %scan3A_228 : i32 to index
        %swap3A_311 = arith.constant 256 : index
        %swap3A_312 = tpu.vector_load %arg11[%swap3A_310, %swap3A_311] {strides = array<i32>} : memref<64x512xf32, #tpu.memory_space<vmem>>, vector<16xf32>,
        tpu.vector_store %arg11[%swap3A_310, %swap3A_311], %broadcast_in_dim3A_309 {strides = array<i32>} : memref<64x512xf32, #tpu.memory_space<vmem>>, vector<16xf32>,
        %broadcast_in_dim3A_313 = arith.constant 0.000000e+00 : f32
        %broadcast_in_dim3A_314 = vector.broadcast %broadcast_in_dim3A_313 : f32 to vector<16xf32>
        %swap3A_315 = arith.index_cast %scan3A_228 : i32 to index
        %swap3A_316 = arith.constant 272 : index
        %swap3A_317 = tpu.vector_load %arg11[%swap3A_315, %swap3A_316] {strides = array<i32>} : memref<64x512xf32, #tpu.memory_space<vmem>>, vector<16xf32>,
        tpu.vector_store %arg11[%swap3A_315, %swap3A_316], %broadcast_in_dim3A_314 {strides = array<i32>} : memref<64x512xf32, #tpu.memory_space<vmem>>, vector<16xf32>,
        %broadcast_in_dim3A_318 = arith.constant 0.000000e+00 : f32
        %broadcast_in_dim3A_319 = vector.broadcast %broadcast_in_dim3A_318 : f32 to vector<16xf32>
        %swap3A_320 = arith.index_cast %scan3A_228 : i32 to index
        %swap3A_321 = arith.constant 288 : index
        %swap3A_322 = tpu.vector_load %arg11[%swap3A_320, %swap3A_321] {strides = array<i32>} : memref<64x512xf32, #tpu.memory_space<vmem>>, vector<16xf32>,
        tpu.vector_store %arg11[%swap3A_320, %swap3A_321], %broadcast_in_dim3A_319 {strides = array<i32>} : memref<64x512xf32, #tpu.memory_space<vmem>>, vector<16xf32>,
        %broadcast_in_dim3A_323 = arith.constant 0.000000e+00 : f32
        %broadcast_in_dim3A_324 = vector.broadcast %broadcast_in_dim3A_323 : f32 to vector<16xf32>
        %swap3A_325 = arith.index_cast %scan3A_228 : i32 to index
        %swap3A_326 = arith.constant 304 : index
        %swap3A_327 = tpu.vector_load %arg11[%swap3A_325, %swap3A_326] {strides = array<i32>} : memref<64x512xf32, #tpu.memory_space<vmem>>, vector<16xf32>,
        tpu.vector_store %arg11[%swap3A_325, %swap3A_326], %broadcast_in_dim3A_324 {strides = array<i32>} : memref<64x512xf32, #tpu.memory_space<vmem>>, vector<16xf32>,
        %broadcast_in_dim3A_328 = arith.constant 0.000000e+00 : f32
        %broadcast_in_dim3A_329 = vector.broadcast %broadcast_in_dim3A_328 : f32 to vector<16xf32>
        %swap3A_330 = arith.index_cast %scan3A_228 : i32 to index
        %swap3A_331 = arith.constant 320 : index
        %swap3A_332 = tpu.vector_load %arg11[%swap3A_330, %swap3A_331] {strides = array<i32>} : memref<64x512xf32, #tpu.memory_space<vmem>>, vector<16xf32>,
        tpu.vector_store %arg11[%swap3A_330, %swap3A_331], %broadcast_in_dim3A_329 {strides = array<i32>} : memref<64x512xf32, #tpu.memory_space<vmem>>, vector<16xf32>,
        %broadcast_in_dim3A_333 = arith.constant 0.000000e+00 : f32
        %broadcast_in_dim3A_334 = vector.broadcast %broadcast_in_dim3A_333 : f32 to vector<16xf32>
        %swap3A_335 = arith.index_cast %scan3A_228 : i32 to index
        %swap3A_336 = arith.constant 336 : index
        %swap3A_337 = tpu.vector_load %arg11[%swap3A_335, %swap3A_336] {strides = array<i32>} : memref<64x512xf32, #tpu.memory_space<vmem>>, vector<16xf32>,
        tpu.vector_store %arg11[%swap3A_335, %swap3A_336], %broadcast_in_dim3A_334 {strides = array<i32>} : memref<64x512xf32, #tpu.memory_space<vmem>>, vector<16xf32>,
        %broadcast_in_dim3A_338 = arith.constant 0.000000e+00 : f32
        %broadcast_in_dim3A_339 = vector.broadcast %broadcast_in_dim3A_338 : f32 to vector<16xf32>
        %swap3A_340 = arith.index_cast %scan3A_228 : i32 to index
        %swap3A_341 = arith.constant 352 : index
        %swap3A_342 = tpu.vector_load %arg11[%swap3A_340, %swap3A_341] {strides = array<i32>} : memref<64x512xf32, #tpu.memory_space<vmem>>, vector<16xf32>,
        tpu.vector_store %arg11[%swap3A_340, %swap3A_341], %broadcast_in_dim3A_339 {strides = array<i32>} : memref<64x512xf32, #tpu.memory_space<vmem>>, vector<16xf32>,
        %broadcast_in_dim3A_343 = arith.constant 0.000000e+00 : f32
        %broadcast_in_dim3A_344 = vector.broadcast %broadcast_in_dim3A_343 : f32 to vector<16xf32>
        %swap3A_345 = arith.index_cast %scan3A_228 : i32 to index
        %swap3A_346 = arith.constant 368 : index
        %swap3A_347 = tpu.vector_load %arg11[%swap3A_345, %swap3A_346] {strides = array<i32>} : memref<64x512xf32, #tpu.memory_space<vmem>>, vector<16xf32>,
        tpu.vector_store %arg11[%swap3A_345, %swap3A_346], %broadcast_in_dim3A_344 {strides = array<i32>} : memref<64x512xf32, #tpu.memory_space<vmem>>, vector<16xf32>,
        %broadcast_in_dim3A_348 = arith.constant 0.000000e+00 : f32
        %broadcast_in_dim3A_349 = vector.broadcast %broadcast_in_dim3A_348 : f32 to vector<16xf32>
        %swap3A_350 = arith.index_cast %scan3A_228 : i32 to index
        %swap3A_351 = arith.constant 384 : index
        %swap3A_352 = tpu.vector_load %arg11[%swap3A_350, %swap3A_351] {strides = array<i32>} : memref<64x512xf32, #tpu.memory_space<vmem>>, vector<16xf32>,
        tpu.vector_store %arg11[%swap3A_350, %swap3A_351], %broadcast_in_dim3A_349 {strides = array<i32>} : memref<64x512xf32, #tpu.memory_space<vmem>>, vector<16xf32>,
        %broadcast_in_dim3A_353 = arith.constant 0.000000e+00 : f32
        %broadcast_in_dim3A_354 = vector.broadcast %broadcast_in_dim3A_353 : f32 to vector<16xf32>
        %swap3A_355 = arith.index_cast %scan3A_228 : i32 to index
        %swap3A_356 = arith.constant 400 : index
        %swap3A_357 = tpu.vector_load %arg11[%swap3A_355, %swap3A_356] {strides = array<i32>} : memref<64x512xf32, #tpu.memory_space<vmem>>, vector<16xf32>,
        tpu.vector_store %arg11[%swap3A_355, %swap3A_356], %broadcast_in_dim3A_354 {strides = array<i32>} : memref<64x512xf32, #tpu.memory_space<vmem>>, vector<16xf32>,
        %broadcast_in_dim3A_358 = arith.constant 0.000000e+00 : f32
        %broadcast_in_dim3A_359 = vector.broadcast %broadcast_in_dim3A_358 : f32 to vector<16xf32>
        %swap3A_360 = arith.index_cast %scan3A_228 : i32 to index
        %swap3A_361 = arith.constant 416 : index
        %swap3A_362 = tpu.vector_load %arg11[%swap3A_360, %swap3A_361] {strides = array<i32>} : memref<64x512xf32, #tpu.memory_space<vmem>>, vector<16xf32>,
        tpu.vector_store %arg11[%swap3A_360, %swap3A_361], %broadcast_in_dim3A_359 {strides = array<i32>} : memref<64x512xf32, #tpu.memory_space<vmem>>, vector<16xf32>,
        %broadcast_in_dim3A_363 = arith.constant 0.000000e+00 : f32
        %broadcast_in_dim3A_364 = vector.broadcast %broadcast_in_dim3A_363 : f32 to vector<16xf32>
        %swap3A_365 = arith.index_cast %scan3A_228 : i32 to index
        %swap3A_366 = arith.constant 432 : index
        %swap3A_367 = tpu.vector_load %arg11[%swap3A_365, %swap3A_366] {strides = array<i32>} : memref<64x512xf32, #tpu.memory_space<vmem>>, vector<16xf32>,
        tpu.vector_store %arg11[%swap3A_365, %swap3A_366], %broadcast_in_dim3A_364 {strides = array<i32>} : memref<64x512xf32, #tpu.memory_space<vmem>>, vector<16xf32>,
        %broadcast_in_dim3A_368 = arith.constant 0.000000e+00 : f32
        %broadcast_in_dim3A_369 = vector.broadcast %broadcast_in_dim3A_368 : f32 to vector<16xf32>
        %swap3A_370 = arith.index_cast %scan3A_228 : i32 to index
        %swap3A_371 = arith.constant 448 : index
        %swap3A_372 = tpu.vector_load %arg11[%swap3A_370, %swap3A_371] {strides = array<i32>} : memref<64x512xf32, #tpu.memory_space<vmem>>, vector<16xf32>,
        tpu.vector_store %arg11[%swap3A_370, %swap3A_371], %broadcast_in_dim3A_369 {strides = array<i32>} : memref<64x512xf32, #tpu.memory_space<vmem>>, vector<16xf32>,
        %broadcast_in_dim3A_373 = arith.constant 0.000000e+00 : f32
        %broadcast_in_dim3A_374 = vector.broadcast %broadcast_in_dim3A_373 : f32 to vector<16xf32>
        %swap3A_375 = arith.index_cast %scan3A_228 : i32 to index
        %swap3A_376 = arith.constant 464 : index
        %swap3A_377 = tpu.vector_load %arg11[%swap3A_375, %swap3A_376] {strides = array<i32>} : memref<64x512xf32, #tpu.memory_space<vmem>>, vector<16xf32>,
        tpu.vector_store %arg11[%swap3A_375, %swap3A_376], %broadcast_in_dim3A_374 {strides = array<i32>} : memref<64x512xf32, #tpu.memory_space<vmem>>, vector<16xf32>,
        %broadcast_in_dim3A_378 = arith.constant 0.000000e+00 : f32
        %broadcast_in_dim3A_379 = vector.broadcast %broadcast_in_dim3A_378 : f32 to vector<16xf32>
        %swap3A_380 = arith.index_cast %scan3A_228 : i32 to index
        %swap3A_381 = arith.constant 480 : index
        %swap3A_382 = tpu.vector_load %arg11[%swap3A_380, %swap3A_381] {strides = array<i32>} : memref<64x512xf32, #tpu.memory_space<vmem>>, vector<16xf32>,
        tpu.vector_store %arg11[%swap3A_380, %swap3A_381], %broadcast_in_dim3A_379 {strides = array<i32>} : memref<64x512xf32, #tpu.memory_space<vmem>>, vector<16xf32>,
        %broadcast_in_dim3A_383 = arith.constant 0.000000e+00 : f32
        %broadcast_in_dim3A_384 = vector.broadcast %broadcast_in_dim3A_383 : f32 to vector<16xf32>
        %swap3A_385 = arith.index_cast %scan3A_228 : i32 to index
        %swap3A_386 = arith.constant 496 : index
        %swap3A_387 = tpu.vector_load %arg11[%swap3A_385, %swap3A_386] {strides = array<i32>} : memref<64x512xf32, #tpu.memory_space<vmem>>, vector<16xf32>,
        tpu.vector_store %arg11[%swap3A_385, %swap3A_386], %broadcast_in_dim3A_384 {strides = array<i32>} : memref<64x512xf32, #tpu.memory_space<vmem>>, vector<16xf32>,
      }
      %scan3A_28 = arith.constant 64 : i32
      %eq3A = vector.broadcast %scan3A_17 : i32 to vector<16xi32>
      %eq3A_29 = arith.cmpi eq, %iota3A, %eq3A : vector<16xi32>
      %jit3A = arith.constant 0 : i32
      %broadcast_in_dim3A = vector.broadcast %jit3A : i32 to vector<16xi32>
      %select_n3A = arith.select %eq3A_29, %get3A_5, %broadcast_in_dim3A : vector<16xi1>, vector<16xi32>
      %reduce_sum3A = arith.constant true
      %reduce_sum3A_30 = vector.broadcast %reduce_sum3A : i1 to vector<16xi1>
      %reduce_sum3A_31 = tpu.scan <sum>, %select_n3A masked %reduce_sum3A_30 : vector<16xi32>, vector<16xi1> -> vector<16xi32>
      %reduce_sum3A_32 = vector.extract %reduce_sum3A_31[15] : i32 from vector<16xi32>
      %add3A_33 = arith.constant 1 : i32
      %add3A_34 = arith.addi %scan3A_17, %add3A_33 : i32
      %eq3A_35 = vector.broadcast %add3A_34 : i32 to vector<16xi32>
      %eq3A_36 = arith.cmpi eq, %iota3A, %eq3A_35 : vector<16xi32>
      %jit3A_37 = arith.constant 0 : i32
      %broadcast_in_dim3A_38 = vector.broadcast %jit3A_37 : i32 to vector<16xi32>
      %select_n3A_39 = arith.select %eq3A_36, %get3A_5, %broadcast_in_dim3A_38 : vector<16xi1>, vector<16xi32>
      %reduce_sum3A_40 = arith.constant true
      %reduce_sum3A_41 = vector.broadcast %reduce_sum3A_40 : i1 to vector<16xi1>
      %reduce_sum3A_42 = tpu.scan <sum>, %select_n3A_39 masked %reduce_sum3A_41 : vector<16xi32>, vector<16xi1> -> vector<16xi32>
      %reduce_sum3A_43 = vector.extract %reduce_sum3A_42[15] : i32 from vector<16xi32>
      %eq3A_44 = arith.constant 8 : i32
      %eq3A_45 = vector.broadcast %eq3A_44 : i32 to vector<16xi32>
      %eq3A_46 = arith.cmpi eq, %iota3A, %eq3A_45 : vector<16xi32>
      %eq3A_47 = arith.constant 15 : i32
      %eq3A_48 = arith.cmpi eq, %scan3A_17, %eq3A_47 : i32
      %and3A = vector.broadcast %eq3A_48 : i1 to vector<16xi1>
      %and3A_49 = arith.andi %eq3A_46, %and3A : vector<16xi1>
      %jit3A_50 = arith.constant 0 : i32
      %broadcast_in_dim3A_51 = vector.broadcast %jit3A_50 : i32 to vector<16xi32>
      %select_n3A_52 = arith.select %and3A_49, %get3A_7, %broadcast_in_dim3A_51 : vector<16xi1>, vector<16xi32>
      %reduce_sum3A_53 = arith.constant true
      %reduce_sum3A_54 = vector.broadcast %reduce_sum3A_53 : i1 to vector<16xi1>
      %reduce_sum3A_55 = tpu.scan <sum>, %select_n3A_52 masked %reduce_sum3A_54 : vector<16xi32>, vector<16xi1> -> vector<16xi32>
      %reduce_sum3A_56 = vector.extract %reduce_sum3A_55[15] : i32 from vector<16xi32>
      %add3A_57 = arith.addi %reduce_sum3A_43, %reduce_sum3A_56 : i32
      %jit3A_58 = arith.constant 8 : i32
      %div3A = arith.divsi %reduce_sum3A_32, %jit3A_58 : i32
      %sign3A = arith.constant 0 : i32
      %sign3A_59 = arith.cmpi sgt, %reduce_sum3A_32, %sign3A : i32
      %sign3A_60 = arith.extui %sign3A_59 : i1 to i32
      %sign3A_61 = arith.constant 0 : i32
      %sign3A_62 = arith.cmpi slt, %reduce_sum3A_32, %sign3A_61 : i32
      %sign3A_63 = arith.extui %sign3A_62 : i1 to i32
      %sign3A_64 = arith.subi %sign3A_60, %sign3A_63 : i32
      %sign3A_65 = arith.constant 0 : i32
      %sign3A_66 = arith.cmpi sgt, %jit3A_58, %sign3A_65 : i32
      %sign3A_67 = arith.extui %sign3A_66 : i1 to i32
      %sign3A_68 = arith.constant 0 : i32
      %sign3A_69 = arith.cmpi slt, %jit3A_58, %sign3A_68 : i32
      %sign3A_70 = arith.extui %sign3A_69 : i1 to i32
      %sign3A_71 = arith.subi %sign3A_67, %sign3A_70 : i32
      %ne3A = arith.cmpi ne, %sign3A_64, %sign3A_71 : i32
      %rem3A = arith.remsi %reduce_sum3A_32, %jit3A_58 : i32
      %ne3A_72 = arith.constant 0 : i32
      %ne3A_73 = arith.cmpi ne, %rem3A, %ne3A_72 : i32
      %and3A_74 = arith.andi %ne3A, %ne3A_73 : i1
      %sub3A = arith.constant 1 : i32
      %sub3A_75 = arith.subi %div3A, %sub3A : i32
      %select_n3A_76 = arith.select %and3A_74, %sub3A_75, %div3A : i32
      %mul3A_77 = arith.constant 8 : i32
      %mul3A_78 = arith.muli %select_n3A_76, %mul3A_77 : i32
      %sub3A_79 = arith.subi %add3A_57, %mul3A_78 : i32
      %add3A_80 = arith.constant 1023 : i32
      %add3A_81 = arith.addi %sub3A_79, %add3A_80 : i32
      %max3A = arith.constant 0 : i32
      %max3A_82 = arith.maxsi %add3A_81, %max3A : i32
      %jit3A_83 = arith.constant 1024 : i32
      %div3A_84 = arith.divsi %max3A_82, %jit3A_83 : i32
      %sign3A_85 = arith.constant 0 : i32
      %sign3A_86 = arith.cmpi sgt, %max3A_82, %sign3A_85 : i32
      %sign3A_87 = arith.extui %sign3A_86 : i1 to i32
      %sign3A_88 = arith.constant 0 : i32
      %sign3A_89 = arith.cmpi slt, %max3A_82, %sign3A_88 : i32
      %sign3A_90 = arith.extui %sign3A_89 : i1 to i32
      %sign3A_91 = arith.subi %sign3A_87, %sign3A_90 : i32
      %sign3A_92 = arith.constant 0 : i32
      %sign3A_93 = arith.cmpi sgt, %jit3A_83, %sign3A_92 : i32
      %sign3A_94 = arith.extui %sign3A_93 : i1 to i32
      %sign3A_95 = arith.constant 0 : i32
      %sign3A_96 = arith.cmpi slt, %jit3A_83, %sign3A_95 : i32
      %sign3A_97 = arith.extui %sign3A_96 : i1 to i32
      %sign3A_98 = arith.subi %sign3A_94, %sign3A_97 : i32
      %ne3A_99 = arith.cmpi ne, %sign3A_91, %sign3A_98 : i32
      %rem3A_100 = arith.remsi %max3A_82, %jit3A_83 : i32
      %ne3A_101 = arith.constant 0 : i32
      %ne3A_102 = arith.cmpi ne, %rem3A_100, %ne3A_101 : i32
      %and3A_103 = arith.andi %ne3A_99, %ne3A_102 : i1
      %sub3A_104 = arith.constant 1 : i32
      %sub3A_105 = arith.subi %div3A_84, %sub3A_104 : i32
      %select_n3A_106 = arith.select %and3A_103, %sub3A_105, %div3A_84 : i32
      %while3A = arith.constant 0 : i32
      %while3A_107 = arith.constant 0 : i32
      %while3A_108 = arith.subi %select_n3A_106, %while3A_107 : i32
      %while3A_109 = arith.addi %while3A_107, %while3A_108 : i32
      %while3A_110 = arith.constant 1 : i32
      %while3A_111 = arith.divsi %while3A_108, %while3A_110 : i32
      %while3A_112 = arith.muli %while3A_111, %while3A_110 : i32
      %while3A_113 = arith.addi %while3A_107, %while3A_112 : i32
      %while3A_114 = arith.constant 1 : i32
      scf.for %while3A_228 = %while3A_107 to %while3A_113 step %while3A_114  : i32 {
        %mul3A_229 = arith.constant 1024 : i32
        %mul3A_230 = arith.muli %while3A_228, %mul3A_229 : i32
        %add3A_231 = arith.addi %mul3A_78, %mul3A_230 : i32
        "tpu.region"() ({
          %run_scoped3A = tpu.sem_alloc : memref<!tpu.dma_semaphore, #tpu.memory_space<semaphore_mem>>
          %dma_start3A = tpu.memref_slice %arg2[%add3A_231] : memref<525328xi32, #tpu.memory_space<hbm>> -> memref<1040xi32, #tpu.memory_space<hbm>>
          %dma_start3A_238 = tpu.memref_slice %arg2[%add3A_231] : memref<525328xi32, #tpu.memory_space<hbm>> -> memref<1040xi32, #tpu.memory_space<hbm>>
          tpu.enqueue_dma source(%dma_start3A_238 : memref<1040xi32, #tpu.memory_space<hbm>>) target(%arg12 : memref<1040xi32, #tpu.memory_space<vmem>>) target_semaphore(%run_scoped3A : memref<!tpu.dma_semaphore, #tpu.memory_space<semaphore_mem>>)
          %dma_wait3A = tpu.memref_slice %arg2[%add3A_231] : memref<525328xi32, #tpu.memory_space<hbm>> -> memref<1040xi32, #tpu.memory_space<hbm>>
          %dma_wait3A_239 = tpu.memref_slice %arg2[%add3A_231] : memref<525328xi32, #tpu.memory_space<hbm>> -> memref<1040xi32, #tpu.memory_space<hbm>>
          tpu.wait_dma2 semaphore(%run_scoped3A : memref<!tpu.dma_semaphore, #tpu.memory_space<semaphore_mem>>) src(%dma_wait3A_239 : memref<1040xi32, #tpu.memory_space<hbm>>) dst(%arg12 : memref<1040xi32, #tpu.memory_space<vmem>>)
          tpu.yield
        }) : () -> ()
        "tpu.region"() ({
          %run_scoped3A = tpu.sem_alloc : memref<!tpu.dma_semaphore, #tpu.memory_space<semaphore_mem>>
          %dma_start3A = tpu.memref_slice %arg3[%add3A_231] : memref<525328xf32, #tpu.memory_space<hbm>> -> memref<1040xf32, #tpu.memory_space<hbm>>
          %dma_start3A_238 = tpu.memref_slice %arg3[%add3A_231] : memref<525328xf32, #tpu.memory_space<hbm>> -> memref<1040xf32, #tpu.memory_space<hbm>>
          tpu.enqueue_dma source(%dma_start3A_238 : memref<1040xf32, #tpu.memory_space<hbm>>) target(%arg13 : memref<1040xf32, #tpu.memory_space<vmem>>) target_semaphore(%run_scoped3A : memref<!tpu.dma_semaphore, #tpu.memory_space<semaphore_mem>>)
          %dma_wait3A = tpu.memref_slice %arg3[%add3A_231] : memref<525328xf32, #tpu.memory_space<hbm>> -> memref<1040xf32, #tpu.memory_space<hbm>>
          %dma_wait3A_239 = tpu.memref_slice %arg3[%add3A_231] : memref<525328xf32, #tpu.memory_space<hbm>> -> memref<1040xf32, #tpu.memory_space<hbm>>
          tpu.wait_dma2 semaphore(%run_scoped3A : memref<!tpu.dma_semaphore, #tpu.memory_space<semaphore_mem>>) src(%dma_wait3A_239 : memref<1040xf32, #tpu.memory_space<hbm>>) dst(%arg13 : memref<1040xf32, #tpu.memory_space<vmem>>)
          tpu.yield
        }) : () -> ()
        %scan3A_232 = arith.constant 0 : i32
        %scan3A_233 = arith.constant 0 : i32
        %scan3A_234 = arith.constant 64 : i32
        %scan3A_235 = arith.addi %scan3A_233, %scan3A_234 : i32
        %scan3A_236 = arith.constant 1 : i32
        scf.for %scan3A_238 = %scan3A_233 to %scan3A_235 step %scan3A_236  : i32 {
          %mul3A_239 = arith.constant 16 : i32
          %mul3A_240 = arith.muli %scan3A_238, %mul3A_239 : i32
          %get3A_241 = arith.index_cast %mul3A_240 : i32 to index
          %get3A_242 = tpu.vector_load %arg12[%get3A_241] {strides = array<i32>} : memref<1040xi32, #tpu.memory_space<vmem>>, vector<16xi32>,
          %add3A_243 = arith.constant 1 : i32
          %add3A_244 = arith.addi %mul3A_240, %add3A_243 : i32
          %add3A_245 = vector.broadcast %add3A_244 : i32 to vector<16xi32>
          %add3A_246 = arith.addi %add3A_245, %iota3A : vector<16xi32>
          %gather3A = tpu.vector_load_idx %arg12[%add3A_246] : memref<1040xi32, #tpu.memory_space<vmem>>[vector<16xi32>], vector<16xi32>,
          %get3A_247 = arith.index_cast %mul3A_240 : i32 to index
          %get3A_248 = tpu.vector_load %arg13[%get3A_247] {strides = array<i32>} : memref<1040xf32, #tpu.memory_space<vmem>>, vector<16xf32>,
          %add3A_249 = arith.addi %add3A_231, %mul3A_240 : i32
          %add3A_250 = vector.broadcast %add3A_249 : i32 to vector<16xi32>
          %add3A_251 = arith.addi %add3A_250, %iota3A : vector<16xi32>
          %ge3A = vector.broadcast %reduce_sum3A_32 : i32 to vector<16xi32>
          %ge3A_252 = arith.cmpi sge, %add3A_251, %ge3A : vector<16xi32>
          %lt3A = vector.broadcast %add3A_57 : i32 to vector<16xi32>
          %lt3A_253 = arith.cmpi slt, %add3A_251, %lt3A : vector<16xi32>
          %and3A_254 = arith.andi %ge3A_252, %lt3A_253 : vector<16xi1>
          %ne3A_255 = arith.cmpi ne, %get3A_242, %gather3A : vector<16xi32>
          %and3A_256 = arith.andi %and3A_254, %ne3A_255 : vector<16xi1>
          %sub3A_257 = vector.broadcast %mul3A_22 : i32 to vector<16xi32>
          %sub3A_258 = arith.subi %get3A_242, %sub3A_257 : vector<16xi32>
          %mul3A_259 = arith.constant 16353 : i32
          %mul3A_260 = vector.broadcast %mul3A_259 : i32 to vector<16xi32>
          %mul3A_261 = arith.muli %sub3A_258, %mul3A_260 : vector<16xi32>
          %shift_right_arithmetic3A = arith.constant 23 : i32
          %shift_right_arithmetic3A_262 = vector.broadcast %shift_right_arithmetic3A : i32 to vector<16xi32>
          %shift_right_arithmetic3A_263 = arith.shrsi %mul3A_261, %shift_right_arithmetic3A_262 : vector<16xi32>
          %max3A_264 = arith.constant 0 : i32
          %max3A_265 = vector.broadcast %max3A_264 : i32 to vector<16xi32>
          %max3A_266 = arith.maxsi %shift_right_arithmetic3A_263, %max3A_265 : vector<16xi32>
          %min3A = arith.constant 63 : i32
          %min3A_267 = vector.broadcast %min3A : i32 to vector<16xi32>
          %min3A_268 = arith.minsi %max3A_266, %min3A_267 : vector<16xi32>
          %mul3A_269 = arith.constant 513 : i32
          %mul3A_270 = vector.broadcast %mul3A_269 : i32 to vector<16xi32>
          %mul3A_271 = arith.muli %min3A_268, %mul3A_270 : vector<16xi32>
          %sub3A_272 = arith.subi %sub3A_258, %mul3A_271 : vector<16xi32>
          %max3A_273 = arith.constant 0 : i32
          %max3A_274 = vector.broadcast %max3A_273 : i32 to vector<16xi32>
          %max3A_275 = arith.maxsi %sub3A_272, %max3A_274 : vector<16xi32>
          %min3A_276 = arith.constant 511 : i32
          %min3A_277 = vector.broadcast %min3A_276 : i32 to vector<16xi32>
          %min3A_278 = arith.minsi %max3A_275, %min3A_277 : vector<16xi32>
          tpu.vector_store_idx %arg11[%min3A_268, %min3A_278], %get3A_248 masked %and3A_256 : memref<64x512xf32, #tpu.memory_space<vmem>>[vector<16xi32>, vector<16xi32>], vector<16xf32>, vector<16xi1>
        }
        %scan3A_237 = arith.constant 64 : i32
      }
      %while3A_115 = arith.constant 1 : i32
      scf.for %while3A_228 = %while3A_113 to %while3A_109 step %while3A_115  : i32 {
        %mul3A_229 = arith.constant 1024 : i32
        %mul3A_230 = arith.muli %while3A_228, %mul3A_229 : i32
        %add3A_231 = arith.addi %mul3A_78, %mul3A_230 : i32
        "tpu.region"() ({
          %run_scoped3A = tpu.sem_alloc : memref<!tpu.dma_semaphore, #tpu.memory_space<semaphore_mem>>
          %dma_start3A = tpu.memref_slice %arg2[%add3A_231] : memref<525328xi32, #tpu.memory_space<hbm>> -> memref<1040xi32, #tpu.memory_space<hbm>>
          %dma_start3A_238 = tpu.memref_slice %arg2[%add3A_231] : memref<525328xi32, #tpu.memory_space<hbm>> -> memref<1040xi32, #tpu.memory_space<hbm>>
          tpu.enqueue_dma source(%dma_start3A_238 : memref<1040xi32, #tpu.memory_space<hbm>>) target(%arg12 : memref<1040xi32, #tpu.memory_space<vmem>>) target_semaphore(%run_scoped3A : memref<!tpu.dma_semaphore, #tpu.memory_space<semaphore_mem>>)
          %dma_wait3A = tpu.memref_slice %arg2[%add3A_231] : memref<525328xi32, #tpu.memory_space<hbm>> -> memref<1040xi32, #tpu.memory_space<hbm>>
          %dma_wait3A_239 = tpu.memref_slice %arg2[%add3A_231] : memref<525328xi32, #tpu.memory_space<hbm>> -> memref<1040xi32, #tpu.memory_space<hbm>>
          tpu.wait_dma2 semaphore(%run_scoped3A : memref<!tpu.dma_semaphore, #tpu.memory_space<semaphore_mem>>) src(%dma_wait3A_239 : memref<1040xi32, #tpu.memory_space<hbm>>) dst(%arg12 : memref<1040xi32, #tpu.memory_space<vmem>>)
          tpu.yield
        }) : () -> ()
        "tpu.region"() ({
          %run_scoped3A = tpu.sem_alloc : memref<!tpu.dma_semaphore, #tpu.memory_space<semaphore_mem>>
          %dma_start3A = tpu.memref_slice %arg3[%add3A_231] : memref<525328xf32, #tpu.memory_space<hbm>> -> memref<1040xf32, #tpu.memory_space<hbm>>
          %dma_start3A_238 = tpu.memref_slice %arg3[%add3A_231] : memref<525328xf32, #tpu.memory_space<hbm>> -> memref<1040xf32, #tpu.memory_space<hbm>>
          tpu.enqueue_dma source(%dma_start3A_238 : memref<1040xf32, #tpu.memory_space<hbm>>) target(%arg13 : memref<1040xf32, #tpu.memory_space<vmem>>) target_semaphore(%run_scoped3A : memref<!tpu.dma_semaphore, #tpu.memory_space<semaphore_mem>>)
          %dma_wait3A = tpu.memref_slice %arg3[%add3A_231] : memref<525328xf32, #tpu.memory_space<hbm>> -> memref<1040xf32, #tpu.memory_space<hbm>>
          %dma_wait3A_239 = tpu.memref_slice %arg3[%add3A_231] : memref<525328xf32, #tpu.memory_space<hbm>> -> memref<1040xf32, #tpu.memory_space<hbm>>
          tpu.wait_dma2 semaphore(%run_scoped3A : memref<!tpu.dma_semaphore, #tpu.memory_space<semaphore_mem>>) src(%dma_wait3A_239 : memref<1040xf32, #tpu.memory_space<hbm>>) dst(%arg13 : memref<1040xf32, #tpu.memory_space<vmem>>)
          tpu.yield
        }) : () -> ()
        %scan3A_232 = arith.constant 0 : i32
        %scan3A_233 = arith.constant 0 : i32
        %scan3A_234 = arith.constant 64 : i32
        %scan3A_235 = arith.addi %scan3A_233, %scan3A_234 : i32
        %scan3A_236 = arith.constant 1 : i32
        scf.for %scan3A_238 = %scan3A_233 to %scan3A_235 step %scan3A_236  : i32 {
          %mul3A_239 = arith.constant 16 : i32
          %mul3A_240 = arith.muli %scan3A_238, %mul3A_239 : i32
          %get3A_241 = arith.index_cast %mul3A_240 : i32 to index
          %get3A_242 = tpu.vector_load %arg12[%get3A_241] {strides = array<i32>} : memref<1040xi32, #tpu.memory_space<vmem>>, vector<16xi32>,
          %add3A_243 = arith.constant 1 : i32
          %add3A_244 = arith.addi %mul3A_240, %add3A_243 : i32
          %add3A_245 = vector.broadcast %add3A_244 : i32 to vector<16xi32>
          %add3A_246 = arith.addi %add3A_245, %iota3A : vector<16xi32>
          %gather3A = tpu.vector_load_idx %arg12[%add3A_246] : memref<1040xi32, #tpu.memory_space<vmem>>[vector<16xi32>], vector<16xi32>,
          %get3A_247 = arith.index_cast %mul3A_240 : i32 to index
          %get3A_248 = tpu.vector_load %arg13[%get3A_247] {strides = array<i32>} : memref<1040xf32, #tpu.memory_space<vmem>>, vector<16xf32>,
          %add3A_249 = arith.addi %add3A_231, %mul3A_240 : i32
          %add3A_250 = vector.broadcast %add3A_249 : i32 to vector<16xi32>
          %add3A_251 = arith.addi %add3A_250, %iota3A : vector<16xi32>
          %ge3A = vector.broadcast %reduce_sum3A_32 : i32 to vector<16xi32>
          %ge3A_252 = arith.cmpi sge, %add3A_251, %ge3A : vector<16xi32>
          %lt3A = vector.broadcast %add3A_57 : i32 to vector<16xi32>
          %lt3A_253 = arith.cmpi slt, %add3A_251, %lt3A : vector<16xi32>
          %and3A_254 = arith.andi %ge3A_252, %lt3A_253 : vector<16xi1>
          %ne3A_255 = arith.cmpi ne, %get3A_242, %gather3A : vector<16xi32>
          %and3A_256 = arith.andi %and3A_254, %ne3A_255 : vector<16xi1>
          %sub3A_257 = vector.broadcast %mul3A_22 : i32 to vector<16xi32>
          %sub3A_258 = arith.subi %get3A_242, %sub3A_257 : vector<16xi32>
          %mul3A_259 = arith.constant 16353 : i32
          %mul3A_260 = vector.broadcast %mul3A_259 : i32 to vector<16xi32>
          %mul3A_261 = arith.muli %sub3A_258, %mul3A_260 : vector<16xi32>
          %shift_right_arithmetic3A = arith.constant 23 : i32
          %shift_right_arithmetic3A_262 = vector.broadcast %shift_right_arithmetic3A : i32 to vector<16xi32>
          %shift_right_arithmetic3A_263 = arith.shrsi %mul3A_261, %shift_right_arithmetic3A_262 : vector<16xi32>
          %max3A_264 = arith.constant 0 : i32
          %max3A_265 = vector.broadcast %max3A_264 : i32 to vector<16xi32>
          %max3A_266 = arith.maxsi %shift_right_arithmetic3A_263, %max3A_265 : vector<16xi32>
          %min3A = arith.constant 63 : i32
          %min3A_267 = vector.broadcast %min3A : i32 to vector<16xi32>
          %min3A_268 = arith.minsi %max3A_266, %min3A_267 : vector<16xi32>
          %mul3A_269 = arith.constant 513 : i32
          %mul3A_270 = vector.broadcast %mul3A_269 : i32 to vector<16xi32>
          %mul3A_271 = arith.muli %min3A_268, %mul3A_270 : vector<16xi32>
          %sub3A_272 = arith.subi %sub3A_258, %mul3A_271 : vector<16xi32>
          %max3A_273 = arith.constant 0 : i32
          %max3A_274 = vector.broadcast %max3A_273 : i32 to vector<16xi32>
          %max3A_275 = arith.maxsi %sub3A_272, %max3A_274 : vector<16xi32>
          %min3A_276 = arith.constant 511 : i32
          %min3A_277 = vector.broadcast %min3A_276 : i32 to vector<16xi32>
          %min3A_278 = arith.minsi %max3A_275, %min3A_277 : vector<16xi32>
          tpu.vector_store_idx %arg11[%min3A_268, %min3A_278], %get3A_248 masked %and3A_256 : memref<64x512xf32, #tpu.memory_space<vmem>>[vector<16xi32>, vector<16xi32>], vector<16xf32>, vector<16xi1>
        }
        %scan3A_237 = arith.constant 64 : i32
      }
      %eq3A_116 = vector.broadcast %scan3A_17 : i32 to vector<16xi32>
      %eq3A_117 = arith.cmpi eq, %iota3A, %eq3A_116 : vector<16xi32>
      %jit3A_118 = arith.constant 0 : i32
      %broadcast_in_dim3A_119 = vector.broadcast %jit3A_118 : i32 to vector<16xi32>
      %select_n3A_120 = arith.select %eq3A_117, %get3A_9, %broadcast_in_dim3A_119 : vector<16xi1>, vector<16xi32>
      %reduce_sum3A_121 = arith.constant true
      %reduce_sum3A_122 = vector.broadcast %reduce_sum3A_121 : i1 to vector<16xi1>
      %reduce_sum3A_123 = tpu.scan <sum>, %select_n3A_120 masked %reduce_sum3A_122 : vector<16xi32>, vector<16xi1> -> vector<16xi32>
      %reduce_sum3A_124 = vector.extract %reduce_sum3A_123[15] : i32 from vector<16xi32>
      %add3A_125 = arith.constant 1 : i32
      %add3A_126 = arith.addi %scan3A_17, %add3A_125 : i32
      %eq3A_127 = vector.broadcast %add3A_126 : i32 to vector<16xi32>
      %eq3A_128 = arith.cmpi eq, %iota3A, %eq3A_127 : vector<16xi32>
      %jit3A_129 = arith.constant 0 : i32
      %broadcast_in_dim3A_130 = vector.broadcast %jit3A_129 : i32 to vector<16xi32>
      %select_n3A_131 = arith.select %eq3A_128, %get3A_9, %broadcast_in_dim3A_130 : vector<16xi1>, vector<16xi32>
      %reduce_sum3A_132 = arith.constant true
      %reduce_sum3A_133 = vector.broadcast %reduce_sum3A_132 : i1 to vector<16xi1>
      %reduce_sum3A_134 = tpu.scan <sum>, %select_n3A_131 masked %reduce_sum3A_133 : vector<16xi32>, vector<16xi1> -> vector<16xi32>
      %reduce_sum3A_135 = vector.extract %reduce_sum3A_134[15] : i32 from vector<16xi32>
      %eq3A_136 = arith.constant 8 : i32
      %eq3A_137 = vector.broadcast %eq3A_136 : i32 to vector<16xi32>
      %eq3A_138 = arith.cmpi eq, %iota3A, %eq3A_137 : vector<16xi32>
      %eq3A_139 = arith.constant 15 : i32
      %eq3A_140 = arith.cmpi eq, %scan3A_17, %eq3A_139 : i32
      %and3A_141 = vector.broadcast %eq3A_140 : i1 to vector<16xi1>
      %and3A_142 = arith.andi %eq3A_138, %and3A_141 : vector<16xi1>
      %jit3A_143 = arith.constant 0 : i32
      %broadcast_in_dim3A_144 = vector.broadcast %jit3A_143 : i32 to vector<16xi32>
      %select_n3A_145 = arith.select %and3A_142, %get3A_11, %broadcast_in_dim3A_144 : vector<16xi1>, vector<16xi32>
      %reduce_sum3A_146 = arith.constant true
      %reduce_sum3A_147 = vector.broadcast %reduce_sum3A_146 : i1 to vector<16xi1>
      %reduce_sum3A_148 = tpu.scan <sum>, %select_n3A_145 masked %reduce_sum3A_147 : vector<16xi32>, vector<16xi1> -> vector<16xi32>
      %reduce_sum3A_149 = vector.extract %reduce_sum3A_148[15] : i32 from vector<16xi32>
      %add3A_150 = arith.addi %reduce_sum3A_135, %reduce_sum3A_149 : i32
      %jit3A_151 = arith.constant 8 : i32
      %div3A_152 = arith.divsi %reduce_sum3A_124, %jit3A_151 : i32
      %sign3A_153 = arith.constant 0 : i32
      %sign3A_154 = arith.cmpi sgt, %reduce_sum3A_124, %sign3A_153 : i32
      %sign3A_155 = arith.extui %sign3A_154 : i1 to i32
      %sign3A_156 = arith.constant 0 : i32
      %sign3A_157 = arith.cmpi slt, %reduce_sum3A_124, %sign3A_156 : i32
      %sign3A_158 = arith.extui %sign3A_157 : i1 to i32
      %sign3A_159 = arith.subi %sign3A_155, %sign3A_158 : i32
      %sign3A_160 = arith.constant 0 : i32
      %sign3A_161 = arith.cmpi sgt, %jit3A_151, %sign3A_160 : i32
      %sign3A_162 = arith.extui %sign3A_161 : i1 to i32
      %sign3A_163 = arith.constant 0 : i32
      %sign3A_164 = arith.cmpi slt, %jit3A_151, %sign3A_163 : i32
      %sign3A_165 = arith.extui %sign3A_164 : i1 to i32
      %sign3A_166 = arith.subi %sign3A_162, %sign3A_165 : i32
      %ne3A_167 = arith.cmpi ne, %sign3A_159, %sign3A_166 : i32
      %rem3A_168 = arith.remsi %reduce_sum3A_124, %jit3A_151 : i32
      %ne3A_169 = arith.constant 0 : i32
      %ne3A_170 = arith.cmpi ne, %rem3A_168, %ne3A_169 : i32
      %and3A_171 = arith.andi %ne3A_167, %ne3A_170 : i1
      %sub3A_172 = arith.constant 1 : i32
      %sub3A_173 = arith.subi %div3A_152, %sub3A_172 : i32
      %select_n3A_174 = arith.select %and3A_171, %sub3A_173, %div3A_152 : i32
      %mul3A_175 = arith.constant 8 : i32
      %mul3A_176 = arith.muli %select_n3A_174, %mul3A_175 : i32
      %sub3A_177 = arith.subi %add3A_150, %mul3A_176 : i32
      %add3A_178 = arith.constant 1023 : i32
      %add3A_179 = arith.addi %sub3A_177, %add3A_178 : i32
      %max3A_180 = arith.constant 0 : i32
      %max3A_181 = arith.maxsi %add3A_179, %max3A_180 : i32
      %jit3A_182 = arith.constant 1024 : i32
      %div3A_183 = arith.divsi %max3A_181, %jit3A_182 : i32
      %sign3A_184 = arith.constant 0 : i32
      %sign3A_185 = arith.cmpi sgt, %max3A_181, %sign3A_184 : i32
      %sign3A_186 = arith.extui %sign3A_185 : i1 to i32
      %sign3A_187 = arith.constant 0 : i32
      %sign3A_188 = arith.cmpi slt, %max3A_181, %sign3A_187 : i32
      %sign3A_189 = arith.extui %sign3A_188 : i1 to i32
      %sign3A_190 = arith.subi %sign3A_186, %sign3A_189 : i32
      %sign3A_191 = arith.constant 0 : i32
      %sign3A_192 = arith.cmpi sgt, %jit3A_182, %sign3A_191 : i32
      %sign3A_193 = arith.extui %sign3A_192 : i1 to i32
      %sign3A_194 = arith.constant 0 : i32
      %sign3A_195 = arith.cmpi slt, %jit3A_182, %sign3A_194 : i32
      %sign3A_196 = arith.extui %sign3A_195 : i1 to i32
      %sign3A_197 = arith.subi %sign3A_193, %sign3A_196 : i32
      %ne3A_198 = arith.cmpi ne, %sign3A_190, %sign3A_197 : i32
      %rem3A_199 = arith.remsi %max3A_181, %jit3A_182 : i32
      %ne3A_200 = arith.constant 0 : i32
      %ne3A_201 = arith.cmpi ne, %rem3A_199, %ne3A_200 : i32
      %and3A_202 = arith.andi %ne3A_198, %ne3A_201 : i1
      %sub3A_203 = arith.constant 1 : i32
      %sub3A_204 = arith.subi %div3A_183, %sub3A_203 : i32
      %select_n3A_205 = arith.select %and3A_202, %sub3A_204, %div3A_183 : i32
      %while3A_206 = arith.constant 0 : i32
      %while3A_207 = arith.constant 0 : i32
      %while3A_208 = arith.subi %select_n3A_205, %while3A_207 : i32
      %while3A_209 = arith.addi %while3A_207, %while3A_208 : i32
      %while3A_210 = arith.constant 1 : i32
      %while3A_211 = arith.divsi %while3A_208, %while3A_210 : i32
      %while3A_212 = arith.muli %while3A_211, %while3A_210 : i32
      %while3A_213 = arith.addi %while3A_207, %while3A_212 : i32
      %while3A_214 = arith.constant 1 : i32
      scf.for %while3A_228 = %while3A_207 to %while3A_213 step %while3A_214  : i32 {
        %mul3A_229 = arith.constant 1024 : i32
        %mul3A_230 = arith.muli %while3A_228, %mul3A_229 : i32
        %add3A_231 = arith.addi %mul3A_176, %mul3A_230 : i32
        "tpu.region"() ({
          %run_scoped3A = tpu.sem_alloc : memref<!tpu.dma_semaphore, #tpu.memory_space<semaphore_mem>>
          %dma_start3A = tpu.memref_slice %arg4[%add3A_231] : memref<525328xi32, #tpu.memory_space<hbm>> -> memref<1040xi32, #tpu.memory_space<hbm>>
          %dma_start3A_238 = tpu.memref_slice %arg4[%add3A_231] : memref<525328xi32, #tpu.memory_space<hbm>> -> memref<1040xi32, #tpu.memory_space<hbm>>
          tpu.enqueue_dma source(%dma_start3A_238 : memref<1040xi32, #tpu.memory_space<hbm>>) target(%arg12 : memref<1040xi32, #tpu.memory_space<vmem>>) target_semaphore(%run_scoped3A : memref<!tpu.dma_semaphore, #tpu.memory_space<semaphore_mem>>)
          %dma_wait3A = tpu.memref_slice %arg4[%add3A_231] : memref<525328xi32, #tpu.memory_space<hbm>> -> memref<1040xi32, #tpu.memory_space<hbm>>
          %dma_wait3A_239 = tpu.memref_slice %arg4[%add3A_231] : memref<525328xi32, #tpu.memory_space<hbm>> -> memref<1040xi32, #tpu.memory_space<hbm>>
          tpu.wait_dma2 semaphore(%run_scoped3A : memref<!tpu.dma_semaphore, #tpu.memory_space<semaphore_mem>>) src(%dma_wait3A_239 : memref<1040xi32, #tpu.memory_space<hbm>>) dst(%arg12 : memref<1040xi32, #tpu.memory_space<vmem>>)
          tpu.yield
        }) : () -> ()
        "tpu.region"() ({
          %run_scoped3A = tpu.sem_alloc : memref<!tpu.dma_semaphore, #tpu.memory_space<semaphore_mem>>
          %dma_start3A = tpu.memref_slice %arg5[%add3A_231] : memref<525328xf32, #tpu.memory_space<hbm>> -> memref<1040xf32, #tpu.memory_space<hbm>>
          %dma_start3A_238 = tpu.memref_slice %arg5[%add3A_231] : memref<525328xf32, #tpu.memory_space<hbm>> -> memref<1040xf32, #tpu.memory_space<hbm>>
          tpu.enqueue_dma source(%dma_start3A_238 : memref<1040xf32, #tpu.memory_space<hbm>>) target(%arg13 : memref<1040xf32, #tpu.memory_space<vmem>>) target_semaphore(%run_scoped3A : memref<!tpu.dma_semaphore, #tpu.memory_space<semaphore_mem>>)
          %dma_wait3A = tpu.memref_slice %arg5[%add3A_231] : memref<525328xf32, #tpu.memory_space<hbm>> -> memref<1040xf32, #tpu.memory_space<hbm>>
          %dma_wait3A_239 = tpu.memref_slice %arg5[%add3A_231] : memref<525328xf32, #tpu.memory_space<hbm>> -> memref<1040xf32, #tpu.memory_space<hbm>>
          tpu.wait_dma2 semaphore(%run_scoped3A : memref<!tpu.dma_semaphore, #tpu.memory_space<semaphore_mem>>) src(%dma_wait3A_239 : memref<1040xf32, #tpu.memory_space<hbm>>) dst(%arg13 : memref<1040xf32, #tpu.memory_space<vmem>>)
          tpu.yield
        }) : () -> ()
        %scan3A_232 = arith.constant 0 : i32
        %scan3A_233 = arith.constant 0 : i32
        %scan3A_234 = arith.constant 64 : i32
        %scan3A_235 = arith.addi %scan3A_233, %scan3A_234 : i32
        %scan3A_236 = arith.constant 1 : i32
        scf.for %scan3A_238 = %scan3A_233 to %scan3A_235 step %scan3A_236  : i32 {
          %mul3A_239 = arith.constant 16 : i32
          %mul3A_240 = arith.muli %scan3A_238, %mul3A_239 : i32
          %get3A_241 = arith.index_cast %mul3A_240 : i32 to index
          %get3A_242 = tpu.vector_load %arg12[%get3A_241] {strides = array<i32>} : memref<1040xi32, #tpu.memory_space<vmem>>, vector<16xi32>,
          %add3A_243 = arith.constant 1 : i32
          %add3A_244 = arith.addi %mul3A_240, %add3A_243 : i32
          %add3A_245 = vector.broadcast %add3A_244 : i32 to vector<16xi32>
          %add3A_246 = arith.addi %add3A_245, %iota3A : vector<16xi32>
          %gather3A = tpu.vector_load_idx %arg12[%add3A_246] : memref<1040xi32, #tpu.memory_space<vmem>>[vector<16xi32>], vector<16xi32>,
          %get3A_247 = arith.index_cast %mul3A_240 : i32 to index
          %get3A_248 = tpu.vector_load %arg13[%get3A_247] {strides = array<i32>} : memref<1040xf32, #tpu.memory_space<vmem>>, vector<16xf32>,
          %add3A_249 = arith.addi %add3A_231, %mul3A_240 : i32
          %add3A_250 = vector.broadcast %add3A_249 : i32 to vector<16xi32>
          %add3A_251 = arith.addi %add3A_250, %iota3A : vector<16xi32>
          %ge3A = vector.broadcast %reduce_sum3A_124 : i32 to vector<16xi32>
          %ge3A_252 = arith.cmpi sge, %add3A_251, %ge3A : vector<16xi32>
          %lt3A = vector.broadcast %add3A_150 : i32 to vector<16xi32>
          %lt3A_253 = arith.cmpi slt, %add3A_251, %lt3A : vector<16xi32>
          %and3A_254 = arith.andi %ge3A_252, %lt3A_253 : vector<16xi1>
          %ne3A_255 = arith.cmpi ne, %get3A_242, %gather3A : vector<16xi32>
          %and3A_256 = arith.andi %and3A_254, %ne3A_255 : vector<16xi1>
          %sub3A_257 = vector.broadcast %mul3A_22 : i32 to vector<16xi32>
          %sub3A_258 = arith.subi %get3A_242, %sub3A_257 : vector<16xi32>
          %mul3A_259 = arith.constant 16353 : i32
          %mul3A_260 = vector.broadcast %mul3A_259 : i32 to vector<16xi32>
          %mul3A_261 = arith.muli %sub3A_258, %mul3A_260 : vector<16xi32>
          %shift_right_arithmetic3A = arith.constant 23 : i32
          %shift_right_arithmetic3A_262 = vector.broadcast %shift_right_arithmetic3A : i32 to vector<16xi32>
          %shift_right_arithmetic3A_263 = arith.shrsi %mul3A_261, %shift_right_arithmetic3A_262 : vector<16xi32>
          %max3A_264 = arith.constant 0 : i32
          %max3A_265 = vector.broadcast %max3A_264 : i32 to vector<16xi32>
          %max3A_266 = arith.maxsi %shift_right_arithmetic3A_263, %max3A_265 : vector<16xi32>
          %min3A = arith.constant 63 : i32
          %min3A_267 = vector.broadcast %min3A : i32 to vector<16xi32>
          %min3A_268 = arith.minsi %max3A_266, %min3A_267 : vector<16xi32>
          %mul3A_269 = arith.constant 513 : i32
          %mul3A_270 = vector.broadcast %mul3A_269 : i32 to vector<16xi32>
          %mul3A_271 = arith.muli %min3A_268, %mul3A_270 : vector<16xi32>
          %sub3A_272 = arith.subi %sub3A_258, %mul3A_271 : vector<16xi32>
          %max3A_273 = arith.constant 0 : i32
          %max3A_274 = vector.broadcast %max3A_273 : i32 to vector<16xi32>
          %max3A_275 = arith.maxsi %sub3A_272, %max3A_274 : vector<16xi32>
          %min3A_276 = arith.constant 511 : i32
          %min3A_277 = vector.broadcast %min3A_276 : i32 to vector<16xi32>
          %min3A_278 = arith.minsi %max3A_275, %min3A_277 : vector<16xi32>
          tpu.vector_store_idx %arg11[%min3A_268, %min3A_278], %get3A_248 masked %and3A_256 : memref<64x512xf32, #tpu.memory_space<vmem>>[vector<16xi32>, vector<16xi32>], vector<16xf32>, vector<16xi1>
        }
        %scan3A_237 = arith.constant 64 : i32
      }
      %while3A_215 = arith.constant 1 : i32
      scf.for %while3A_228 = %while3A_213 to %while3A_209 step %while3A_215  : i32 {
        %mul3A_229 = arith.constant 1024 : i32
        %mul3A_230 = arith.muli %while3A_228, %mul3A_229 : i32
        %add3A_231 = arith.addi %mul3A_176, %mul3A_230 : i32
        "tpu.region"() ({
          %run_scoped3A = tpu.sem_alloc : memref<!tpu.dma_semaphore, #tpu.memory_space<semaphore_mem>>
          %dma_start3A = tpu.memref_slice %arg4[%add3A_231] : memref<525328xi32, #tpu.memory_space<hbm>> -> memref<1040xi32, #tpu.memory_space<hbm>>
          %dma_start3A_238 = tpu.memref_slice %arg4[%add3A_231] : memref<525328xi32, #tpu.memory_space<hbm>> -> memref<1040xi32, #tpu.memory_space<hbm>>
          tpu.enqueue_dma source(%dma_start3A_238 : memref<1040xi32, #tpu.memory_space<hbm>>) target(%arg12 : memref<1040xi32, #tpu.memory_space<vmem>>) target_semaphore(%run_scoped3A : memref<!tpu.dma_semaphore, #tpu.memory_space<semaphore_mem>>)
          %dma_wait3A = tpu.memref_slice %arg4[%add3A_231] : memref<525328xi32, #tpu.memory_space<hbm>> -> memref<1040xi32, #tpu.memory_space<hbm>>
          %dma_wait3A_239 = tpu.memref_slice %arg4[%add3A_231] : memref<525328xi32, #tpu.memory_space<hbm>> -> memref<1040xi32, #tpu.memory_space<hbm>>
          tpu.wait_dma2 semaphore(%run_scoped3A : memref<!tpu.dma_semaphore, #tpu.memory_space<semaphore_mem>>) src(%dma_wait3A_239 : memref<1040xi32, #tpu.memory_space<hbm>>) dst(%arg12 : memref<1040xi32, #tpu.memory_space<vmem>>)
          tpu.yield
        }) : () -> ()
        "tpu.region"() ({
          %run_scoped3A = tpu.sem_alloc : memref<!tpu.dma_semaphore, #tpu.memory_space<semaphore_mem>>
          %dma_start3A = tpu.memref_slice %arg5[%add3A_231] : memref<525328xf32, #tpu.memory_space<hbm>> -> memref<1040xf32, #tpu.memory_space<hbm>>
          %dma_start3A_238 = tpu.memref_slice %arg5[%add3A_231] : memref<525328xf32, #tpu.memory_space<hbm>> -> memref<1040xf32, #tpu.memory_space<hbm>>
          tpu.enqueue_dma source(%dma_start3A_238 : memref<1040xf32, #tpu.memory_space<hbm>>) target(%arg13 : memref<1040xf32, #tpu.memory_space<vmem>>) target_semaphore(%run_scoped3A : memref<!tpu.dma_semaphore, #tpu.memory_space<semaphore_mem>>)
          %dma_wait3A = tpu.memref_slice %arg5[%add3A_231] : memref<525328xf32, #tpu.memory_space<hbm>> -> memref<1040xf32, #tpu.memory_space<hbm>>
          %dma_wait3A_239 = tpu.memref_slice %arg5[%add3A_231] : memref<525328xf32, #tpu.memory_space<hbm>> -> memref<1040xf32, #tpu.memory_space<hbm>>
          tpu.wait_dma2 semaphore(%run_scoped3A : memref<!tpu.dma_semaphore, #tpu.memory_space<semaphore_mem>>) src(%dma_wait3A_239 : memref<1040xf32, #tpu.memory_space<hbm>>) dst(%arg13 : memref<1040xf32, #tpu.memory_space<vmem>>)
          tpu.yield
        }) : () -> ()
        %scan3A_232 = arith.constant 0 : i32
        %scan3A_233 = arith.constant 0 : i32
        %scan3A_234 = arith.constant 64 : i32
        %scan3A_235 = arith.addi %scan3A_233, %scan3A_234 : i32
        %scan3A_236 = arith.constant 1 : i32
        scf.for %scan3A_238 = %scan3A_233 to %scan3A_235 step %scan3A_236  : i32 {
          %mul3A_239 = arith.constant 16 : i32
          %mul3A_240 = arith.muli %scan3A_238, %mul3A_239 : i32
          %get3A_241 = arith.index_cast %mul3A_240 : i32 to index
          %get3A_242 = tpu.vector_load %arg12[%get3A_241] {strides = array<i32>} : memref<1040xi32, #tpu.memory_space<vmem>>, vector<16xi32>,
          %add3A_243 = arith.constant 1 : i32
          %add3A_244 = arith.addi %mul3A_240, %add3A_243 : i32
          %add3A_245 = vector.broadcast %add3A_244 : i32 to vector<16xi32>
          %add3A_246 = arith.addi %add3A_245, %iota3A : vector<16xi32>
          %gather3A = tpu.vector_load_idx %arg12[%add3A_246] : memref<1040xi32, #tpu.memory_space<vmem>>[vector<16xi32>], vector<16xi32>,
          %get3A_247 = arith.index_cast %mul3A_240 : i32 to index
          %get3A_248 = tpu.vector_load %arg13[%get3A_247] {strides = array<i32>} : memref<1040xf32, #tpu.memory_space<vmem>>, vector<16xf32>,
          %add3A_249 = arith.addi %add3A_231, %mul3A_240 : i32
          %add3A_250 = vector.broadcast %add3A_249 : i32 to vector<16xi32>
          %add3A_251 = arith.addi %add3A_250, %iota3A : vector<16xi32>
          %ge3A = vector.broadcast %reduce_sum3A_124 : i32 to vector<16xi32>
          %ge3A_252 = arith.cmpi sge, %add3A_251, %ge3A : vector<16xi32>
          %lt3A = vector.broadcast %add3A_150 : i32 to vector<16xi32>
          %lt3A_253 = arith.cmpi slt, %add3A_251, %lt3A : vector<16xi32>
          %and3A_254 = arith.andi %ge3A_252, %lt3A_253 : vector<16xi1>
          %ne3A_255 = arith.cmpi ne, %get3A_242, %gather3A : vector<16xi32>
          %and3A_256 = arith.andi %and3A_254, %ne3A_255 : vector<16xi1>
          %sub3A_257 = vector.broadcast %mul3A_22 : i32 to vector<16xi32>
          %sub3A_258 = arith.subi %get3A_242, %sub3A_257 : vector<16xi32>
          %mul3A_259 = arith.constant 16353 : i32
          %mul3A_260 = vector.broadcast %mul3A_259 : i32 to vector<16xi32>
          %mul3A_261 = arith.muli %sub3A_258, %mul3A_260 : vector<16xi32>
          %shift_right_arithmetic3A = arith.constant 23 : i32
          %shift_right_arithmetic3A_262 = vector.broadcast %shift_right_arithmetic3A : i32 to vector<16xi32>
          %shift_right_arithmetic3A_263 = arith.shrsi %mul3A_261, %shift_right_arithmetic3A_262 : vector<16xi32>
          %max3A_264 = arith.constant 0 : i32
          %max3A_265 = vector.broadcast %max3A_264 : i32 to vector<16xi32>
          %max3A_266 = arith.maxsi %shift_right_arithmetic3A_263, %max3A_265 : vector<16xi32>
          %min3A = arith.constant 63 : i32
          %min3A_267 = vector.broadcast %min3A : i32 to vector<16xi32>
          %min3A_268 = arith.minsi %max3A_266, %min3A_267 : vector<16xi32>
          %mul3A_269 = arith.constant 513 : i32
          %mul3A_270 = vector.broadcast %mul3A_269 : i32 to vector<16xi32>
          %mul3A_271 = arith.muli %min3A_268, %mul3A_270 : vector<16xi32>
          %sub3A_272 = arith.subi %sub3A_258, %mul3A_271 : vector<16xi32>
          %max3A_273 = arith.constant 0 : i32
          %max3A_274 = vector.broadcast %max3A_273 : i32 to vector<16xi32>
          %max3A_275 = arith.maxsi %sub3A_272, %max3A_274 : vector<16xi32>
          %min3A_276 = arith.constant 511 : i32
          %min3A_277 = vector.broadcast %min3A_276 : i32 to vector<16xi32>
          %min3A_278 = arith.minsi %max3A_275, %min3A_277 : vector<16xi32>
          tpu.vector_store_idx %arg11[%min3A_268, %min3A_278], %get3A_248 masked %and3A_256 : memref<64x512xf32, #tpu.memory_space<vmem>>[vector<16xi32>, vector<16xi32>], vector<16xf32>, vector<16xi1>
        }
        %scan3A_237 = arith.constant 64 : i32
      }
      %scan3A_216 = arith.constant 0 : i32
      %scan3A_217 = arith.constant 0 : i32
      %scan3A_218 = arith.constant 64 : i32
      %scan3A_219 = arith.addi %scan3A_217, %scan3A_218 : i32
      %scan3A_220 = arith.constant 1 : i32
      scf.for %scan3A_228 = %scan3A_217 to %scan3A_219 step %scan3A_220  : i32 {
        %mul3A_229 = arith.constant 262144 : i32
        %mul3A_230 = arith.muli %scan3A_228, %mul3A_229 : i32
        %mul3A_231 = arith.constant 512 : i32
        %mul3A_232 = arith.muli %add3A_20, %mul3A_231 : i32
        %add3A_233 = arith.addi %mul3A_230, %mul3A_232 : i32
        %dma_start3A = arith.constant 0 : i32
        %dma_start3A_234 = tpu.memref_slice %arg11[%scan3A_228, %dma_start3A] : memref<64x512xf32, #tpu.memory_space<vmem>> -> memref<1x512xf32, #tpu.memory_space<vmem>>
        %dma_start3A_235 = tpu.memref_squeeze %dma_start3A_234 : memref<1x512xf32, #tpu.memory_space<vmem>> -> memref<512xf32, #tpu.memory_space<vmem>>
        %dma_start3A_236 = tpu.memref_slice %arg8[%add3A_233] : memref<16777216xf32, #tpu.memory_space<hbm>> -> memref<512xf32, #tpu.memory_space<hbm>>
        %dma_start3A_237 = tpu.memref_slice %arg8[%add3A_233] : memref<16777216xf32, #tpu.memory_space<hbm>> -> memref<512xf32, #tpu.memory_space<hbm>>
        %dma_start3A_238 = arith.constant 0 : i32
        %dma_start3A_239 = tpu.memref_slice %arg11[%scan3A_228, %dma_start3A_238] : memref<64x512xf32, #tpu.memory_space<vmem>> -> memref<1x512xf32, #tpu.memory_space<vmem>>
        %dma_start3A_240 = tpu.memref_squeeze %dma_start3A_239 : memref<1x512xf32, #tpu.memory_space<vmem>> -> memref<512xf32, #tpu.memory_space<vmem>>
        tpu.enqueue_dma source(%dma_start3A_240 : memref<512xf32, #tpu.memory_space<vmem>>) target(%dma_start3A_237 : memref<512xf32, #tpu.memory_space<hbm>>) target_semaphore(%arg14 : memref<!tpu.dma_semaphore, #tpu.memory_space<semaphore_mem>>)
      }
      %scan3A_221 = arith.constant 64 : i32
      %scan3A_222 = arith.constant 0 : i32
      %scan3A_223 = arith.constant 0 : i32
      %scan3A_224 = arith.constant 64 : i32
      %scan3A_225 = arith.addi %scan3A_223, %scan3A_224 : i32
      %scan3A_226 = arith.constant 1 : i32
      scf.for %scan3A_228 = %scan3A_223 to %scan3A_225 step %scan3A_226  : i32 {
        %dma_wait3A = arith.constant 0 : i32
        %dma_wait3A_229 = arith.constant 0 : i32
        %dma_wait3A_230 = tpu.memref_slice %arg11[%dma_wait3A, %dma_wait3A_229] : memref<64x512xf32, #tpu.memory_space<vmem>> -> memref<1x512xf32, #tpu.memory_space<vmem>>
        %dma_wait3A_231 = tpu.memref_squeeze %dma_wait3A_230 : memref<1x512xf32, #tpu.memory_space<vmem>> -> memref<512xf32, #tpu.memory_space<vmem>>
        %dma_wait3A_232 = arith.constant 0 : i32
        %dma_wait3A_233 = tpu.memref_slice %arg8[%dma_wait3A_232] : memref<16777216xf32, #tpu.memory_space<hbm>> -> memref<512xf32, #tpu.memory_space<hbm>>
        %dma_wait3A_234 = arith.constant 0 : i32
        %dma_wait3A_235 = tpu.memref_slice %arg11[%dma_wait3A, %dma_wait3A_234] : memref<64x512xf32, #tpu.memory_space<vmem>> -> memref<1x512xf32, #tpu.memory_space<vmem>>
        %dma_wait3A_236 = tpu.memref_squeeze %dma_wait3A_235 : memref<1x512xf32, #tpu.memory_space<vmem>> -> memref<512xf32, #tpu.memory_space<vmem>>
        %dma_wait3A_237 = arith.constant 0 : i32
        %dma_wait3A_238 = tpu.memref_slice %arg8[%dma_wait3A_237] : memref<16777216xf32, #tpu.memory_space<hbm>> -> memref<512xf32, #tpu.memory_space<hbm>>
        tpu.wait_dma2 semaphore(%arg14 : memref<!tpu.dma_semaphore, #tpu.memory_space<semaphore_mem>>) src(%dma_wait3A_238 : memref<512xf32, #tpu.memory_space<hbm>>) dst(%dma_wait3A_236 : memref<512xf32, #tpu.memory_space<vmem>>)
      }
      %scan3A_227 = arith.constant 64 : i32
    }
    %scan3A_16 = arith.constant 16 : i32
    return
  }
}

#map = affine_map<(d0, d1) -> (0, 0, 0)>
#map1 = affine_map<(d0, d1) -> (0, 0)>
#map2 = affine_map<(d0, d1) -> (0)>
module attributes {stable_mosaic.version = 14 : i64} {
  func.func @_keys_body(%arg0: i32, %arg1: i32, %arg2: memref<64x2x8192xi32, #tpu.memory_space<hbm>>, %arg3: memref<64x8192xi32, #tpu.memory_space<hbm>>, %arg4: memref<524288xi32, #tpu.memory_space<hbm>>, %arg5: memref<524288xi32, #tpu.memory_space<hbm>>, %arg6: memref<32x8208xi32, #tpu.memory_space<hbm>>, %arg7: memref<32x8208xi32, #tpu.memory_space<hbm>>, %arg8: memref<8192xi32, #tpu.memory_space<vmem>>, %arg9: memref<8192xi32, #tpu.memory_space<vmem>>, %arg10: memref<8192xi32, #tpu.memory_space<vmem>>, %arg11: memref<8192xi32, #tpu.memory_space<vmem>>, %arg12: memref<8192xi32, #tpu.memory_space<vmem>>, %arg13: memref<8208xi32, #tpu.memory_space<vmem>>, %arg14: memref<8208xi32, #tpu.memory_space<vmem>>) attributes {dimension_semantics = [#tpu.dimension_semantics<core_parallel>, #tpu.dimension_semantics<subcore_parallel>], iteration_bounds = array<i64: 2, 16>, scalar_prefetch = 0 : i64, scratch_operands = 7 : i64, tpu.core_type = #tpu.core_type<sc_vector_subcore>, window_params = [{transform_indices = #map}, {transform_indices = #map1}, {transform_indices = #map2}, {transform_indices = #map2}, {transform_indices = #map1}, {transform_indices = #map1}]} {
    %mul3A = arith.constant 2 : i32
    %mul3A_0 = arith.muli %arg1, %mul3A : i32
    %add3A = arith.addi %mul3A_0, %arg0 : i32
    %iota3A = tpu.iota {dimensions = array<i32: 0>} : vector<16xi32>
    %broadcast_in_dim3A = arith.constant 1 : i32
    %broadcast_in_dim3A_1 = vector.broadcast %broadcast_in_dim3A : i32 to vector<16xi32>
    %scan3A = arith.constant 0 : i32
    %scan3A_2 = arith.constant 0 : i32
    %scan3A_3 = arith.constant 513 : i32
    %scan3A_4 = arith.addi %scan3A_2, %scan3A_3 : i32
    %scan3A_5 = arith.constant 1 : i32
    scf.for %scan3A_42 = %scan3A_2 to %scan3A_4 step %scan3A_5  : i32 {
      %broadcast_in_dim3A_43 = arith.constant 0 : i32
      %broadcast_in_dim3A_44 = vector.broadcast %broadcast_in_dim3A_43 : i32 to vector<16xi32>
      %mul3A_45 = arith.constant 16 : i32
      %mul3A_46 = arith.muli %scan3A_42, %mul3A_45 : i32
      %swap3A = arith.index_cast %mul3A_46 : i32 to index
      %swap3A_47 = tpu.vector_load %arg13[%swap3A] {strides = array<i32>} : memref<8208xi32, #tpu.memory_space<vmem>>, vector<16xi32>,
      tpu.vector_store %arg13[%swap3A], %broadcast_in_dim3A_44 {strides = array<i32>} : memref<8208xi32, #tpu.memory_space<vmem>>, vector<16xi32>,
      %broadcast_in_dim3A_48 = arith.constant 0 : i32
      %broadcast_in_dim3A_49 = vector.broadcast %broadcast_in_dim3A_48 : i32 to vector<16xi32>
      %mul3A_50 = arith.constant 16 : i32
      %mul3A_51 = arith.muli %scan3A_42, %mul3A_50 : i32
      %swap3A_52 = arith.index_cast %mul3A_51 : i32 to index
      %swap3A_53 = tpu.vector_load %arg14[%swap3A_52] {strides = array<i32>} : memref<8208xi32, #tpu.memory_space<vmem>>, vector<16xi32>,
      tpu.vector_store %arg14[%swap3A_52], %broadcast_in_dim3A_49 {strides = array<i32>} : memref<8208xi32, #tpu.memory_space<vmem>>, vector<16xi32>,
    }
    %scan3A_6 = arith.constant 513 : i32
    %mul3A_7 = arith.constant 2 : i32
    %mul3A_8 = arith.muli %add3A, %mul3A_7 : i32
    %add3A_9 = arith.constant 0 : i32
    %add3A_10 = arith.addi %mul3A_8, %add3A_9 : i32
    %run_scoped3A = arith.constant 0 : i32
    "tpu.region"() ({
      %run_scoped3A_42 = tpu.sem_alloc : memref<!tpu.dma_semaphore, #tpu.memory_space<semaphore_mem>>
      %dma_start3A = arith.constant 0 : i32
      %dma_start3A_43 = tpu.memref_slice %arg2[%add3A_10, %run_scoped3A, %dma_start3A] : memref<64x2x8192xi32, #tpu.memory_space<hbm>> -> memref<1x1x8192xi32, #tpu.memory_space<hbm>>
      %dma_start3A_44 = tpu.memref_squeeze %dma_start3A_43 : memref<1x1x8192xi32, #tpu.memory_space<hbm>> -> memref<8192xi32, #tpu.memory_space<hbm>>
      %dma_start3A_45 = arith.constant 0 : i32
      %dma_start3A_46 = tpu.memref_slice %arg2[%add3A_10, %run_scoped3A, %dma_start3A_45] : memref<64x2x8192xi32, #tpu.memory_space<hbm>> -> memref<1x1x8192xi32, #tpu.memory_space<hbm>>
      %dma_start3A_47 = tpu.memref_squeeze %dma_start3A_46 : memref<1x1x8192xi32, #tpu.memory_space<hbm>> -> memref<8192xi32, #tpu.memory_space<hbm>>
      tpu.enqueue_dma source(%dma_start3A_47 : memref<8192xi32, #tpu.memory_space<hbm>>) target(%arg8 : memref<8192xi32, #tpu.memory_space<vmem>>) target_semaphore(%run_scoped3A_42 : memref<!tpu.dma_semaphore, #tpu.memory_space<semaphore_mem>>)
      %dma_wait3A = arith.constant 0 : i32
      %dma_wait3A_48 = tpu.memref_slice %arg2[%add3A_10, %run_scoped3A, %dma_wait3A] : memref<64x2x8192xi32, #tpu.memory_space<hbm>> -> memref<1x1x8192xi32, #tpu.memory_space<hbm>>
      %dma_wait3A_49 = tpu.memref_squeeze %dma_wait3A_48 : memref<1x1x8192xi32, #tpu.memory_space<hbm>> -> memref<8192xi32, #tpu.memory_space<hbm>>
      %dma_wait3A_50 = arith.constant 0 : i32
      %dma_wait3A_51 = tpu.memref_slice %arg2[%add3A_10, %run_scoped3A, %dma_wait3A_50] : memref<64x2x8192xi32, #tpu.memory_space<hbm>> -> memref<1x1x8192xi32, #tpu.memory_space<hbm>>
      %dma_wait3A_52 = tpu.memref_squeeze %dma_wait3A_51 : memref<1x1x8192xi32, #tpu.memory_space<hbm>> -> memref<8192xi32, #tpu.memory_space<hbm>>
      tpu.wait_dma2 semaphore(%run_scoped3A_42 : memref<!tpu.dma_semaphore, #tpu.memory_space<semaphore_mem>>) src(%dma_wait3A_52 : memref<8192xi32, #tpu.memory_space<hbm>>) dst(%arg8 : memref<8192xi32, #tpu.memory_space<vmem>>)
      tpu.yield
    }) : () -> ()
    %run_scoped3A_11 = arith.constant 1 : i32
    "tpu.region"() ({
      %run_scoped3A_42 = tpu.sem_alloc : memref<!tpu.dma_semaphore, #tpu.memory_space<semaphore_mem>>
      %dma_start3A = arith.constant 0 : i32
      %dma_start3A_43 = tpu.memref_slice %arg2[%add3A_10, %run_scoped3A_11, %dma_start3A] : memref<64x2x8192xi32, #tpu.memory_space<hbm>> -> memref<1x1x8192xi32, #tpu.memory_space<hbm>>
      %dma_start3A_44 = tpu.memref_squeeze %dma_start3A_43 : memref<1x1x8192xi32, #tpu.memory_space<hbm>> -> memref<8192xi32, #tpu.memory_space<hbm>>
      %dma_start3A_45 = arith.constant 0 : i32
      %dma_start3A_46 = tpu.memref_slice %arg2[%add3A_10, %run_scoped3A_11, %dma_start3A_45] : memref<64x2x8192xi32, #tpu.memory_space<hbm>> -> memref<1x1x8192xi32, #tpu.memory_space<hbm>>
      %dma_start3A_47 = tpu.memref_squeeze %dma_start3A_46 : memref<1x1x8192xi32, #tpu.memory_space<hbm>> -> memref<8192xi32, #tpu.memory_space<hbm>>
      tpu.enqueue_dma source(%dma_start3A_47 : memref<8192xi32, #tpu.memory_space<hbm>>) target(%arg9 : memref<8192xi32, #tpu.memory_space<vmem>>) target_semaphore(%run_scoped3A_42 : memref<!tpu.dma_semaphore, #tpu.memory_space<semaphore_mem>>)
      %dma_wait3A = arith.constant 0 : i32
      %dma_wait3A_48 = tpu.memref_slice %arg2[%add3A_10, %run_scoped3A_11, %dma_wait3A] : memref<64x2x8192xi32, #tpu.memory_space<hbm>> -> memref<1x1x8192xi32, #tpu.memory_space<hbm>>
      %dma_wait3A_49 = tpu.memref_squeeze %dma_wait3A_48 : memref<1x1x8192xi32, #tpu.memory_space<hbm>> -> memref<8192xi32, #tpu.memory_space<hbm>>
      %dma_wait3A_50 = arith.constant 0 : i32
      %dma_wait3A_51 = tpu.memref_slice %arg2[%add3A_10, %run_scoped3A_11, %dma_wait3A_50] : memref<64x2x8192xi32, #tpu.memory_space<hbm>> -> memref<1x1x8192xi32, #tpu.memory_space<hbm>>
      %dma_wait3A_52 = tpu.memref_squeeze %dma_wait3A_51 : memref<1x1x8192xi32, #tpu.memory_space<hbm>> -> memref<8192xi32, #tpu.memory_space<hbm>>
      tpu.wait_dma2 semaphore(%run_scoped3A_42 : memref<!tpu.dma_semaphore, #tpu.memory_space<semaphore_mem>>) src(%dma_wait3A_52 : memref<8192xi32, #tpu.memory_space<hbm>>) dst(%arg9 : memref<8192xi32, #tpu.memory_space<vmem>>)
      tpu.yield
    }) : () -> ()
    "tpu.region"() ({
      %run_scoped3A_42 = tpu.sem_alloc : memref<!tpu.dma_semaphore, #tpu.memory_space<semaphore_mem>>
      %dma_start3A = arith.constant 0 : i32
      %dma_start3A_43 = tpu.memref_slice %arg3[%add3A_10, %dma_start3A] : memref<64x8192xi32, #tpu.memory_space<hbm>> -> memref<1x8192xi32, #tpu.memory_space<hbm>>
      %dma_start3A_44 = tpu.memref_squeeze %dma_start3A_43 : memref<1x8192xi32, #tpu.memory_space<hbm>> -> memref<8192xi32, #tpu.memory_space<hbm>>
      %dma_start3A_45 = arith.constant 0 : i32
      %dma_start3A_46 = tpu.memref_slice %arg3[%add3A_10, %dma_start3A_45] : memref<64x8192xi32, #tpu.memory_space<hbm>> -> memref<1x8192xi32, #tpu.memory_space<hbm>>
      %dma_start3A_47 = tpu.memref_squeeze %dma_start3A_46 : memref<1x8192xi32, #tpu.memory_space<hbm>> -> memref<8192xi32, #tpu.memory_space<hbm>>
      tpu.enqueue_dma source(%dma_start3A_47 : memref<8192xi32, #tpu.memory_space<hbm>>) target(%arg10 : memref<8192xi32, #tpu.memory_space<vmem>>) target_semaphore(%run_scoped3A_42 : memref<!tpu.dma_semaphore, #tpu.memory_space<semaphore_mem>>)
      %dma_wait3A = arith.constant 0 : i32
      %dma_wait3A_48 = tpu.memref_slice %arg3[%add3A_10, %dma_wait3A] : memref<64x8192xi32, #tpu.memory_space<hbm>> -> memref<1x8192xi32, #tpu.memory_space<hbm>>
      %dma_wait3A_49 = tpu.memref_squeeze %dma_wait3A_48 : memref<1x8192xi32, #tpu.memory_space<hbm>> -> memref<8192xi32, #tpu.memory_space<hbm>>
      %dma_wait3A_50 = arith.constant 0 : i32
      %dma_wait3A_51 = tpu.memref_slice %arg3[%add3A_10, %dma_wait3A_50] : memref<64x8192xi32, #tpu.memory_space<hbm>> -> memref<1x8192xi32, #tpu.memory_space<hbm>>
      %dma_wait3A_52 = tpu.memref_squeeze %dma_wait3A_51 : memref<1x8192xi32, #tpu.memory_space<hbm>> -> memref<8192xi32, #tpu.memory_space<hbm>>
      tpu.wait_dma2 semaphore(%run_scoped3A_42 : memref<!tpu.dma_semaphore, #tpu.memory_space<semaphore_mem>>) src(%dma_wait3A_52 : memref<8192xi32, #tpu.memory_space<hbm>>) dst(%arg10 : memref<8192xi32, #tpu.memory_space<vmem>>)
      tpu.yield
    }) : () -> ()
    %mul3A_12 = arith.constant 513 : i32
    %mul3A_13 = arith.muli %add3A_10, %mul3A_12 : i32
    %scan3A_14 = arith.constant 0 : i32
    %scan3A_15 = arith.constant 0 : i32
    %scan3A_16 = arith.constant 512 : i32
    %scan3A_17 = arith.addi %scan3A_15, %scan3A_16 : i32
    %scan3A_18 = arith.constant 1 : i32
    scf.for %scan3A_42 = %scan3A_15 to %scan3A_17 step %scan3A_18  : i32 {
      %mul3A_43 = arith.constant 16 : i32
      %mul3A_44 = arith.muli %scan3A_42, %mul3A_43 : i32
      %get3A = arith.index_cast %mul3A_44 : i32 to index
      %get3A_45 = tpu.vector_load %arg8[%get3A] {strides = array<i32>} : memref<8192xi32, #tpu.memory_space<vmem>>, vector<16xi32>,
      %get3A_46 = arith.index_cast %mul3A_44 : i32 to index
      %get3A_47 = tpu.vector_load %arg9[%get3A_46] {strides = array<i32>} : memref<8192xi32, #tpu.memory_space<vmem>>, vector<16xi32>,
      %get3A_48 = arith.index_cast %mul3A_44 : i32 to index
      %get3A_49 = tpu.vector_load %arg10[%get3A_48] {strides = array<i32>} : memref<8192xi32, #tpu.memory_space<vmem>>, vector<16xi32>,
      %ne3A = arith.constant 0 : i32
      %ne3A_50 = vector.broadcast %ne3A : i32 to vector<16xi32>
      %ne3A_51 = arith.cmpi ne, %get3A_49, %ne3A_50 : vector<16xi32>
      %jit3A = arith.constant 512 : i32
      %broadcast_in_dim3A_52 = vector.broadcast %jit3A : i32 to vector<16xi32>
      %select_n3A = arith.select %ne3A_51, %get3A_45, %broadcast_in_dim3A_52 : vector<16xi1>, vector<16xi32>
      %jit3A_53 = arith.constant 512 : i32
      %broadcast_in_dim3A_54 = vector.broadcast %jit3A_53 : i32 to vector<16xi32>
      %select_n3A_55 = arith.select %ne3A_51, %get3A_47, %broadcast_in_dim3A_54 : vector<16xi1>, vector<16xi32>
      %mul3A_56 = arith.constant 32832 : i32
      %mul3A_57 = vector.broadcast %mul3A_56 : i32 to vector<16xi32>
      %mul3A_58 = arith.muli %select_n3A, %mul3A_57 : vector<16xi32>
      %add3A_59 = vector.broadcast %mul3A_13 : i32 to vector<16xi32>
      %add3A_60 = arith.addi %mul3A_58, %add3A_59 : vector<16xi32>
      %add3A_61 = arith.addi %add3A_60, %select_n3A_55 : vector<16xi32>
      %swap3A = arith.index_cast %mul3A_44 : i32 to index
      %swap3A_62 = tpu.vector_load %arg11[%swap3A] {strides = array<i32>} : memref<8192xi32, #tpu.memory_space<vmem>>, vector<16xi32>,
      tpu.vector_store %arg11[%swap3A], %add3A_61 {strides = array<i32>} : memref<8192xi32, #tpu.memory_space<vmem>>, vector<16xi32>,
      %mul3A_63 = arith.constant 32832 : i32
      %mul3A_64 = vector.broadcast %mul3A_63 : i32 to vector<16xi32>
      %mul3A_65 = arith.muli %select_n3A_55, %mul3A_64 : vector<16xi32>
      %add3A_66 = vector.broadcast %mul3A_13 : i32 to vector<16xi32>
      %add3A_67 = arith.addi %mul3A_65, %add3A_66 : vector<16xi32>
      %add3A_68 = arith.addi %add3A_67, %select_n3A : vector<16xi32>
      %swap3A_69 = arith.index_cast %mul3A_44 : i32 to index
      %swap3A_70 = tpu.vector_load %arg12[%swap3A_69] {strides = array<i32>} : memref<8192xi32, #tpu.memory_space<vmem>>, vector<16xi32>,
      tpu.vector_store %arg12[%swap3A_69], %add3A_68 {strides = array<i32>} : memref<8192xi32, #tpu.memory_space<vmem>>, vector<16xi32>,
      %mul3A_71 = arith.constant 16 : i32
      %mul3A_72 = vector.broadcast %mul3A_71 : i32 to vector<16xi32>
      %mul3A_73 = arith.muli %select_n3A, %mul3A_72 : vector<16xi32>
      %add3A_74 = arith.addi %mul3A_73, %iota3A : vector<16xi32>
      tpu.vector_store_idx %arg13[%add3A_74], %broadcast_in_dim3A_1 {add = true} : memref<8208xi32, #tpu.memory_space<vmem>>[vector<16xi32>], vector<16xi32>,
      %mul3A_75 = arith.constant 16 : i32
      %mul3A_76 = vector.broadcast %mul3A_75 : i32 to vector<16xi32>
      %mul3A_77 = arith.muli %select_n3A_55, %mul3A_76 : vector<16xi32>
      %add3A_78 = arith.addi %mul3A_77, %iota3A : vector<16xi32>
      tpu.vector_store_idx %arg14[%add3A_78], %broadcast_in_dim3A_1 {add = true} : memref<8208xi32, #tpu.memory_space<vmem>>[vector<16xi32>], vector<16xi32>,
    }
    %scan3A_19 = arith.constant 512 : i32
    %mul3A_20 = arith.constant 8192 : i32
    %mul3A_21 = arith.muli %add3A_10, %mul3A_20 : i32
    "tpu.region"() ({
      %run_scoped3A_42 = tpu.sem_alloc : memref<!tpu.dma_semaphore, #tpu.memory_space<semaphore_mem>>
      %dma_start3A = tpu.memref_slice %arg4[%mul3A_21] : memref<524288xi32, #tpu.memory_space<hbm>> -> memref<8192xi32, #tpu.memory_space<hbm>>
      %dma_start3A_43 = tpu.memref_slice %arg4[%mul3A_21] : memref<524288xi32, #tpu.memory_space<hbm>> -> memref<8192xi32, #tpu.memory_space<hbm>>
      tpu.enqueue_dma source(%arg11 : memref<8192xi32, #tpu.memory_space<vmem>>) target(%dma_start3A_43 : memref<8192xi32, #tpu.memory_space<hbm>>) target_semaphore(%run_scoped3A_42 : memref<!tpu.dma_semaphore, #tpu.memory_space<semaphore_mem>>)
      %dma_wait3A = tpu.memref_slice %arg4[%mul3A_21] : memref<524288xi32, #tpu.memory_space<hbm>> -> memref<8192xi32, #tpu.memory_space<hbm>>
      %dma_wait3A_44 = tpu.memref_slice %arg4[%mul3A_21] : memref<524288xi32, #tpu.memory_space<hbm>> -> memref<8192xi32, #tpu.memory_space<hbm>>
      tpu.wait_dma2 semaphore(%run_scoped3A_42 : memref<!tpu.dma_semaphore, #tpu.memory_space<semaphore_mem>>) src(%arg11 : memref<8192xi32, #tpu.memory_space<vmem>>) dst(%dma_wait3A_44 : memref<8192xi32, #tpu.memory_space<hbm>>)
      tpu.yield
    }) : () -> ()
    %mul3A_22 = arith.constant 8192 : i32
    %mul3A_23 = arith.muli %add3A_10, %mul3A_22 : i32
    "tpu.region"() ({
      %run_scoped3A_42 = tpu.sem_alloc : memref<!tpu.dma_semaphore, #tpu.memory_space<semaphore_mem>>
      %dma_start3A = tpu.memref_slice %arg5[%mul3A_23] : memref<524288xi32, #tpu.memory_space<hbm>> -> memref<8192xi32, #tpu.memory_space<hbm>>
      %dma_start3A_43 = tpu.memref_slice %arg5[%mul3A_23] : memref<524288xi32, #tpu.memory_space<hbm>> -> memref<8192xi32, #tpu.memory_space<hbm>>
      tpu.enqueue_dma source(%arg12 : memref<8192xi32, #tpu.memory_space<vmem>>) target(%dma_start3A_43 : memref<8192xi32, #tpu.memory_space<hbm>>) target_semaphore(%run_scoped3A_42 : memref<!tpu.dma_semaphore, #tpu.memory_space<semaphore_mem>>)
      %dma_wait3A = tpu.memref_slice %arg5[%mul3A_23] : memref<524288xi32, #tpu.memory_space<hbm>> -> memref<8192xi32, #tpu.memory_space<hbm>>
      %dma_wait3A_44 = tpu.memref_slice %arg5[%mul3A_23] : memref<524288xi32, #tpu.memory_space<hbm>> -> memref<8192xi32, #tpu.memory_space<hbm>>
      tpu.wait_dma2 semaphore(%run_scoped3A_42 : memref<!tpu.dma_semaphore, #tpu.memory_space<semaphore_mem>>) src(%arg12 : memref<8192xi32, #tpu.memory_space<vmem>>) dst(%dma_wait3A_44 : memref<8192xi32, #tpu.memory_space<hbm>>)
      tpu.yield
    }) : () -> ()
    %mul3A_24 = arith.constant 2 : i32
    %mul3A_25 = arith.muli %add3A, %mul3A_24 : i32
    %add3A_26 = arith.constant 1 : i32
    %add3A_27 = arith.addi %mul3A_25, %add3A_26 : i32
    %run_scoped3A_28 = arith.constant 0 : i32
    "tpu.region"() ({
      %run_scoped3A_42 = tpu.sem_alloc : memref<!tpu.dma_semaphore, #tpu.memory_space<semaphore_mem>>
      %dma_start3A = arith.constant 0 : i32
      %dma_start3A_43 = tpu.memref_slice %arg2[%add3A_27, %run_scoped3A_28, %dma_start3A] : memref<64x2x8192xi32, #tpu.memory_space<hbm>> -> memref<1x1x8192xi32, #tpu.memory_space<hbm>>
      %dma_start3A_44 = tpu.memref_squeeze %dma_start3A_43 : memref<1x1x8192xi32, #tpu.memory_space<hbm>> -> memref<8192xi32, #tpu.memory_space<hbm>>
      %dma_start3A_45 = arith.constant 0 : i32
      %dma_start3A_46 = tpu.memref_slice %arg2[%add3A_27, %run_scoped3A_28, %dma_start3A_45] : memref<64x2x8192xi32, #tpu.memory_space<hbm>> -> memref<1x1x8192xi32, #tpu.memory_space<hbm>>
      %dma_start3A_47 = tpu.memref_squeeze %dma_start3A_46 : memref<1x1x8192xi32, #tpu.memory_space<hbm>> -> memref<8192xi32, #tpu.memory_space<hbm>>
      tpu.enqueue_dma source(%dma_start3A_47 : memref<8192xi32, #tpu.memory_space<hbm>>) target(%arg8 : memref<8192xi32, #tpu.memory_space<vmem>>) target_semaphore(%run_scoped3A_42 : memref<!tpu.dma_semaphore, #tpu.memory_space<semaphore_mem>>)
      %dma_wait3A = arith.constant 0 : i32
      %dma_wait3A_48 = tpu.memref_slice %arg2[%add3A_27, %run_scoped3A_28, %dma_wait3A] : memref<64x2x8192xi32, #tpu.memory_space<hbm>> -> memref<1x1x8192xi32, #tpu.memory_space<hbm>>
      %dma_wait3A_49 = tpu.memref_squeeze %dma_wait3A_48 : memref<1x1x8192xi32, #tpu.memory_space<hbm>> -> memref<8192xi32, #tpu.memory_space<hbm>>
      %dma_wait3A_50 = arith.constant 0 : i32
      %dma_wait3A_51 = tpu.memref_slice %arg2[%add3A_27, %run_scoped3A_28, %dma_wait3A_50] : memref<64x2x8192xi32, #tpu.memory_space<hbm>> -> memref<1x1x8192xi32, #tpu.memory_space<hbm>>
      %dma_wait3A_52 = tpu.memref_squeeze %dma_wait3A_51 : memref<1x1x8192xi32, #tpu.memory_space<hbm>> -> memref<8192xi32, #tpu.memory_space<hbm>>
      tpu.wait_dma2 semaphore(%run_scoped3A_42 : memref<!tpu.dma_semaphore, #tpu.memory_space<semaphore_mem>>) src(%dma_wait3A_52 : memref<8192xi32, #tpu.memory_space<hbm>>) dst(%arg8 : memref<8192xi32, #tpu.memory_space<vmem>>)
      tpu.yield
    }) : () -> ()
    %run_scoped3A_29 = arith.constant 1 : i32
    "tpu.region"() ({
      %run_scoped3A_42 = tpu.sem_alloc : memref<!tpu.dma_semaphore, #tpu.memory_space<semaphore_mem>>
      %dma_start3A = arith.constant 0 : i32
      %dma_start3A_43 = tpu.memref_slice %arg2[%add3A_27, %run_scoped3A_29, %dma_start3A] : memref<64x2x8192xi32, #tpu.memory_space<hbm>> -> memref<1x1x8192xi32, #tpu.memory_space<hbm>>
      %dma_start3A_44 = tpu.memref_squeeze %dma_start3A_43 : memref<1x1x8192xi32, #tpu.memory_space<hbm>> -> memref<8192xi32, #tpu.memory_space<hbm>>
      %dma_start3A_45 = arith.constant 0 : i32
      %dma_start3A_46 = tpu.memref_slice %arg2[%add3A_27, %run_scoped3A_29, %dma_start3A_45] : memref<64x2x8192xi32, #tpu.memory_space<hbm>> -> memref<1x1x8192xi32, #tpu.memory_space<hbm>>
      %dma_start3A_47 = tpu.memref_squeeze %dma_start3A_46 : memref<1x1x8192xi32, #tpu.memory_space<hbm>> -> memref<8192xi32, #tpu.memory_space<hbm>>
      tpu.enqueue_dma source(%dma_start3A_47 : memref<8192xi32, #tpu.memory_space<hbm>>) target(%arg9 : memref<8192xi32, #tpu.memory_space<vmem>>) target_semaphore(%run_scoped3A_42 : memref<!tpu.dma_semaphore, #tpu.memory_space<semaphore_mem>>)
      %dma_wait3A = arith.constant 0 : i32
      %dma_wait3A_48 = tpu.memref_slice %arg2[%add3A_27, %run_scoped3A_29, %dma_wait3A] : memref<64x2x8192xi32, #tpu.memory_space<hbm>> -> memref<1x1x8192xi32, #tpu.memory_space<hbm>>
      %dma_wait3A_49 = tpu.memref_squeeze %dma_wait3A_48 : memref<1x1x8192xi32, #tpu.memory_space<hbm>> -> memref<8192xi32, #tpu.memory_space<hbm>>
      %dma_wait3A_50 = arith.constant 0 : i32
      %dma_wait3A_51 = tpu.memref_slice %arg2[%add3A_27, %run_scoped3A_29, %dma_wait3A_50] : memref<64x2x8192xi32, #tpu.memory_space<hbm>> -> memref<1x1x8192xi32, #tpu.memory_space<hbm>>
      %dma_wait3A_52 = tpu.memref_squeeze %dma_wait3A_51 : memref<1x1x8192xi32, #tpu.memory_space<hbm>> -> memref<8192xi32, #tpu.memory_space<hbm>>
      tpu.wait_dma2 semaphore(%run_scoped3A_42 : memref<!tpu.dma_semaphore, #tpu.memory_space<semaphore_mem>>) src(%dma_wait3A_52 : memref<8192xi32, #tpu.memory_space<hbm>>) dst(%arg9 : memref<8192xi32, #tpu.memory_space<vmem>>)
      tpu.yield
    }) : () -> ()
    "tpu.region"() ({
      %run_scoped3A_42 = tpu.sem_alloc : memref<!tpu.dma_semaphore, #tpu.memory_space<semaphore_mem>>
      %dma_start3A = arith.constant 0 : i32
      %dma_start3A_43 = tpu.memref_slice %arg3[%add3A_27, %dma_start3A] : memref<64x8192xi32, #tpu.memory_space<hbm>> -> memref<1x8192xi32, #tpu.memory_space<hbm>>
      %dma_start3A_44 = tpu.memref_squeeze %dma_start3A_43 : memref<1x8192xi32, #tpu.memory_space<hbm>> -> memref<8192xi32, #tpu.memory_space<hbm>>
      %dma_start3A_45 = arith.constant 0 : i32
      %dma_start3A_46 = tpu.memref_slice %arg3[%add3A_27, %dma_start3A_45] : memref<64x8192xi32, #tpu.memory_space<hbm>> -> memref<1x8192xi32, #tpu.memory_space<hbm>>
      %dma_start3A_47 = tpu.memref_squeeze %dma_start3A_46 : memref<1x8192xi32, #tpu.memory_space<hbm>> -> memref<8192xi32, #tpu.memory_space<hbm>>
      tpu.enqueue_dma source(%dma_start3A_47 : memref<8192xi32, #tpu.memory_space<hbm>>) target(%arg10 : memref<8192xi32, #tpu.memory_space<vmem>>) target_semaphore(%run_scoped3A_42 : memref<!tpu.dma_semaphore, #tpu.memory_space<semaphore_mem>>)
      %dma_wait3A = arith.constant 0 : i32
      %dma_wait3A_48 = tpu.memref_slice %arg3[%add3A_27, %dma_wait3A] : memref<64x8192xi32, #tpu.memory_space<hbm>> -> memref<1x8192xi32, #tpu.memory_space<hbm>>
      %dma_wait3A_49 = tpu.memref_squeeze %dma_wait3A_48 : memref<1x8192xi32, #tpu.memory_space<hbm>> -> memref<8192xi32, #tpu.memory_space<hbm>>
      %dma_wait3A_50 = arith.constant 0 : i32
      %dma_wait3A_51 = tpu.memref_slice %arg3[%add3A_27, %dma_wait3A_50] : memref<64x8192xi32, #tpu.memory_space<hbm>> -> memref<1x8192xi32, #tpu.memory_space<hbm>>
      %dma_wait3A_52 = tpu.memref_squeeze %dma_wait3A_51 : memref<1x8192xi32, #tpu.memory_space<hbm>> -> memref<8192xi32, #tpu.memory_space<hbm>>
      tpu.wait_dma2 semaphore(%run_scoped3A_42 : memref<!tpu.dma_semaphore, #tpu.memory_space<semaphore_mem>>) src(%dma_wait3A_52 : memref<8192xi32, #tpu.memory_space<hbm>>) dst(%arg10 : memref<8192xi32, #tpu.memory_space<vmem>>)
      tpu.yield
    }) : () -> ()
    %mul3A_30 = arith.constant 513 : i32
    %mul3A_31 = arith.muli %add3A_27, %mul3A_30 : i32
    %scan3A_32 = arith.constant 0 : i32
    %scan3A_33 = arith.constant 0 : i32
    %scan3A_34 = arith.constant 512 : i32
    %scan3A_35 = arith.addi %scan3A_33, %scan3A_34 : i32
    %scan3A_36 = arith.constant 1 : i32
    scf.for %scan3A_42 = %scan3A_33 to %scan3A_35 step %scan3A_36  : i32 {
      %mul3A_43 = arith.constant 16 : i32
      %mul3A_44 = arith.muli %scan3A_42, %mul3A_43 : i32
      %get3A = arith.index_cast %mul3A_44 : i32 to index
      %get3A_45 = tpu.vector_load %arg8[%get3A] {strides = array<i32>} : memref<8192xi32, #tpu.memory_space<vmem>>, vector<16xi32>,
      %get3A_46 = arith.index_cast %mul3A_44 : i32 to index
      %get3A_47 = tpu.vector_load %arg9[%get3A_46] {strides = array<i32>} : memref<8192xi32, #tpu.memory_space<vmem>>, vector<16xi32>,
      %get3A_48 = arith.index_cast %mul3A_44 : i32 to index
      %get3A_49 = tpu.vector_load %arg10[%get3A_48] {strides = array<i32>} : memref<8192xi32, #tpu.memory_space<vmem>>, vector<16xi32>,
      %ne3A = arith.constant 0 : i32
      %ne3A_50 = vector.broadcast %ne3A : i32 to vector<16xi32>
      %ne3A_51 = arith.cmpi ne, %get3A_49, %ne3A_50 : vector<16xi32>
      %jit3A = arith.constant 512 : i32
      %broadcast_in_dim3A_52 = vector.broadcast %jit3A : i32 to vector<16xi32>
      %select_n3A = arith.select %ne3A_51, %get3A_45, %broadcast_in_dim3A_52 : vector<16xi1>, vector<16xi32>
      %jit3A_53 = arith.constant 512 : i32
      %broadcast_in_dim3A_54 = vector.broadcast %jit3A_53 : i32 to vector<16xi32>
      %select_n3A_55 = arith.select %ne3A_51, %get3A_47, %broadcast_in_dim3A_54 : vector<16xi1>, vector<16xi32>
      %mul3A_56 = arith.constant 32832 : i32
      %mul3A_57 = vector.broadcast %mul3A_56 : i32 to vector<16xi32>
      %mul3A_58 = arith.muli %select_n3A, %mul3A_57 : vector<16xi32>
      %add3A_59 = vector.broadcast %mul3A_31 : i32 to vector<16xi32>
      %add3A_60 = arith.addi %mul3A_58, %add3A_59 : vector<16xi32>
      %add3A_61 = arith.addi %add3A_60, %select_n3A_55 : vector<16xi32>
      %swap3A = arith.index_cast %mul3A_44 : i32 to index
      %swap3A_62 = tpu.vector_load %arg11[%swap3A] {strides = array<i32>} : memref<8192xi32, #tpu.memory_space<vmem>>, vector<16xi32>,
      tpu.vector_store %arg11[%swap3A], %add3A_61 {strides = array<i32>} : memref<8192xi32, #tpu.memory_space<vmem>>, vector<16xi32>,
      %mul3A_63 = arith.constant 32832 : i32
      %mul3A_64 = vector.broadcast %mul3A_63 : i32 to vector<16xi32>
      %mul3A_65 = arith.muli %select_n3A_55, %mul3A_64 : vector<16xi32>
      %add3A_66 = vector.broadcast %mul3A_31 : i32 to vector<16xi32>
      %add3A_67 = arith.addi %mul3A_65, %add3A_66 : vector<16xi32>
      %add3A_68 = arith.addi %add3A_67, %select_n3A : vector<16xi32>
      %swap3A_69 = arith.index_cast %mul3A_44 : i32 to index
      %swap3A_70 = tpu.vector_load %arg12[%swap3A_69] {strides = array<i32>} : memref<8192xi32, #tpu.memory_space<vmem>>, vector<16xi32>,
      tpu.vector_store %arg12[%swap3A_69], %add3A_68 {strides = array<i32>} : memref<8192xi32, #tpu.memory_space<vmem>>, vector<16xi32>,
      %mul3A_71 = arith.constant 16 : i32
      %mul3A_72 = vector.broadcast %mul3A_71 : i32 to vector<16xi32>
      %mul3A_73 = arith.muli %select_n3A, %mul3A_72 : vector<16xi32>
      %add3A_74 = arith.addi %mul3A_73, %iota3A : vector<16xi32>
      tpu.vector_store_idx %arg13[%add3A_74], %broadcast_in_dim3A_1 {add = true} : memref<8208xi32, #tpu.memory_space<vmem>>[vector<16xi32>], vector<16xi32>,
      %mul3A_75 = arith.constant 16 : i32
      %mul3A_76 = vector.broadcast %mul3A_75 : i32 to vector<16xi32>
      %mul3A_77 = arith.muli %select_n3A_55, %mul3A_76 : vector<16xi32>
      %add3A_78 = arith.addi %mul3A_77, %iota3A : vector<16xi32>
      tpu.vector_store_idx %arg14[%add3A_78], %broadcast_in_dim3A_1 {add = true} : memref<8208xi32, #tpu.memory_space<vmem>>[vector<16xi32>], vector<16xi32>,
    }
    %scan3A_37 = arith.constant 512 : i32
    %mul3A_38 = arith.constant 8192 : i32
    %mul3A_39 = arith.muli %add3A_27, %mul3A_38 : i32
    "tpu.region"() ({
      %run_scoped3A_42 = tpu.sem_alloc : memref<!tpu.dma_semaphore, #tpu.memory_space<semaphore_mem>>
      %dma_start3A = tpu.memref_slice %arg4[%mul3A_39] : memref<524288xi32, #tpu.memory_space<hbm>> -> memref<8192xi32, #tpu.memory_space<hbm>>
      %dma_start3A_43 = tpu.memref_slice %arg4[%mul3A_39] : memref<524288xi32, #tpu.memory_space<hbm>> -> memref<8192xi32, #tpu.memory_space<hbm>>
      tpu.enqueue_dma source(%arg11 : memref<8192xi32, #tpu.memory_space<vmem>>) target(%dma_start3A_43 : memref<8192xi32, #tpu.memory_space<hbm>>) target_semaphore(%run_scoped3A_42 : memref<!tpu.dma_semaphore, #tpu.memory_space<semaphore_mem>>)
      %dma_wait3A = tpu.memref_slice %arg4[%mul3A_39] : memref<524288xi32, #tpu.memory_space<hbm>> -> memref<8192xi32, #tpu.memory_space<hbm>>
      %dma_wait3A_44 = tpu.memref_slice %arg4[%mul3A_39] : memref<524288xi32, #tpu.memory_space<hbm>> -> memref<8192xi32, #tpu.memory_space<hbm>>
      tpu.wait_dma2 semaphore(%run_scoped3A_42 : memref<!tpu.dma_semaphore, #tpu.memory_space<semaphore_mem>>) src(%arg11 : memref<8192xi32, #tpu.memory_space<vmem>>) dst(%dma_wait3A_44 : memref<8192xi32, #tpu.memory_space<hbm>>)
      tpu.yield
    }) : () -> ()
    %mul3A_40 = arith.constant 8192 : i32
    %mul3A_41 = arith.muli %add3A_27, %mul3A_40 : i32
    "tpu.region"() ({
      %run_scoped3A_42 = tpu.sem_alloc : memref<!tpu.dma_semaphore, #tpu.memory_space<semaphore_mem>>
      %dma_start3A = tpu.memref_slice %arg5[%mul3A_41] : memref<524288xi32, #tpu.memory_space<hbm>> -> memref<8192xi32, #tpu.memory_space<hbm>>
      %dma_start3A_43 = tpu.memref_slice %arg5[%mul3A_41] : memref<524288xi32, #tpu.memory_space<hbm>> -> memref<8192xi32, #tpu.memory_space<hbm>>
      tpu.enqueue_dma source(%arg12 : memref<8192xi32, #tpu.memory_space<vmem>>) target(%dma_start3A_43 : memref<8192xi32, #tpu.memory_space<hbm>>) target_semaphore(%run_scoped3A_42 : memref<!tpu.dma_semaphore, #tpu.memory_space<semaphore_mem>>)
      %dma_wait3A = tpu.memref_slice %arg5[%mul3A_41] : memref<524288xi32, #tpu.memory_space<hbm>> -> memref<8192xi32, #tpu.memory_space<hbm>>
      %dma_wait3A_44 = tpu.memref_slice %arg5[%mul3A_41] : memref<524288xi32, #tpu.memory_space<hbm>> -> memref<8192xi32, #tpu.memory_space<hbm>>
      tpu.wait_dma2 semaphore(%run_scoped3A_42 : memref<!tpu.dma_semaphore, #tpu.memory_space<semaphore_mem>>) src(%arg12 : memref<8192xi32, #tpu.memory_space<vmem>>) dst(%dma_wait3A_44 : memref<8192xi32, #tpu.memory_space<hbm>>)
      tpu.yield
    }) : () -> ()
    "tpu.region"() ({
      %run_scoped3A_42 = tpu.sem_alloc : memref<!tpu.dma_semaphore, #tpu.memory_space<semaphore_mem>>
      %dma_start3A = arith.constant 0 : i32
      %dma_start3A_43 = tpu.memref_slice %arg6[%add3A, %dma_start3A] : memref<32x8208xi32, #tpu.memory_space<hbm>> -> memref<1x8208xi32, #tpu.memory_space<hbm>>
      %dma_start3A_44 = tpu.memref_squeeze %dma_start3A_43 : memref<1x8208xi32, #tpu.memory_space<hbm>> -> memref<8208xi32, #tpu.memory_space<hbm>>
      %dma_start3A_45 = arith.constant 0 : i32
      %dma_start3A_46 = tpu.memref_slice %arg6[%add3A, %dma_start3A_45] : memref<32x8208xi32, #tpu.memory_space<hbm>> -> memref<1x8208xi32, #tpu.memory_space<hbm>>
      %dma_start3A_47 = tpu.memref_squeeze %dma_start3A_46 : memref<1x8208xi32, #tpu.memory_space<hbm>> -> memref<8208xi32, #tpu.memory_space<hbm>>
      tpu.enqueue_dma source(%arg13 : memref<8208xi32, #tpu.memory_space<vmem>>) target(%dma_start3A_47 : memref<8208xi32, #tpu.memory_space<hbm>>) target_semaphore(%run_scoped3A_42 : memref<!tpu.dma_semaphore, #tpu.memory_space<semaphore_mem>>)
      %dma_wait3A = arith.constant 0 : i32
      %dma_wait3A_48 = tpu.memref_slice %arg6[%add3A, %dma_wait3A] : memref<32x8208xi32, #tpu.memory_space<hbm>> -> memref<1x8208xi32, #tpu.memory_space<hbm>>
      %dma_wait3A_49 = tpu.memref_squeeze %dma_wait3A_48 : memref<1x8208xi32, #tpu.memory_space<hbm>> -> memref<8208xi32, #tpu.memory_space<hbm>>
      %dma_wait3A_50 = arith.constant 0 : i32
      %dma_wait3A_51 = tpu.memref_slice %arg6[%add3A, %dma_wait3A_50] : memref<32x8208xi32, #tpu.memory_space<hbm>> -> memref<1x8208xi32, #tpu.memory_space<hbm>>
      %dma_wait3A_52 = tpu.memref_squeeze %dma_wait3A_51 : memref<1x8208xi32, #tpu.memory_space<hbm>> -> memref<8208xi32, #tpu.memory_space<hbm>>
      tpu.wait_dma2 semaphore(%run_scoped3A_42 : memref<!tpu.dma_semaphore, #tpu.memory_space<semaphore_mem>>) src(%arg13 : memref<8208xi32, #tpu.memory_space<vmem>>) dst(%dma_wait3A_52 : memref<8208xi32, #tpu.memory_space<hbm>>)
      tpu.yield
    }) : () -> ()
    "tpu.region"() ({
      %run_scoped3A_42 = tpu.sem_alloc : memref<!tpu.dma_semaphore, #tpu.memory_space<semaphore_mem>>
      %dma_start3A = arith.constant 0 : i32
      %dma_start3A_43 = tpu.memref_slice %arg7[%add3A, %dma_start3A] : memref<32x8208xi32, #tpu.memory_space<hbm>> -> memref<1x8208xi32, #tpu.memory_space<hbm>>
      %dma_start3A_44 = tpu.memref_squeeze %dma_start3A_43 : memref<1x8208xi32, #tpu.memory_space<hbm>> -> memref<8208xi32, #tpu.memory_space<hbm>>
      %dma_start3A_45 = arith.constant 0 : i32
      %dma_start3A_46 = tpu.memref_slice %arg7[%add3A, %dma_start3A_45] : memref<32x8208xi32, #tpu.memory_space<hbm>> -> memref<1x8208xi32, #tpu.memory_space<hbm>>
      %dma_start3A_47 = tpu.memref_squeeze %dma_start3A_46 : memref<1x8208xi32, #tpu.memory_space<hbm>> -> memref<8208xi32, #tpu.memory_space<hbm>>
      tpu.enqueue_dma source(%arg14 : memref<8208xi32, #tpu.memory_space<vmem>>) target(%dma_start3A_47 : memref<8208xi32, #tpu.memory_space<hbm>>) target_semaphore(%run_scoped3A_42 : memref<!tpu.dma_semaphore, #tpu.memory_space<semaphore_mem>>)
      %dma_wait3A = arith.constant 0 : i32
      %dma_wait3A_48 = tpu.memref_slice %arg7[%add3A, %dma_wait3A] : memref<32x8208xi32, #tpu.memory_space<hbm>> -> memref<1x8208xi32, #tpu.memory_space<hbm>>
      %dma_wait3A_49 = tpu.memref_squeeze %dma_wait3A_48 : memref<1x8208xi32, #tpu.memory_space<hbm>> -> memref<8208xi32, #tpu.memory_space<hbm>>
      %dma_wait3A_50 = arith.constant 0 : i32
      %dma_wait3A_51 = tpu.memref_slice %arg7[%add3A, %dma_wait3A_50] : memref<32x8208xi32, #tpu.memory_space<hbm>> -> memref<1x8208xi32, #tpu.memory_space<hbm>>
      %dma_wait3A_52 = tpu.memref_squeeze %dma_wait3A_51 : memref<1x8208xi32, #tpu.memory_space<hbm>> -> memref<8208xi32, #tpu.memory_space<hbm>>
      tpu.wait_dma2 semaphore(%run_scoped3A_42 : memref<!tpu.dma_semaphore, #tpu.memory_space<semaphore_mem>>) src(%arg14 : memref<8208xi32, #tpu.memory_space<vmem>>) dst(%dma_wait3A_52 : memref<8208xi32, #tpu.memory_space<hbm>>)
      tpu.yield
    }) : () -> ()
    return
  }
}

</mosaic_0001>

<sc_bundles>
// kernel: kernel.4.cloned.1.call-start
scs
__scs_entry_jumppad:
0x0: {  	(pc) =	sbr.rel $0x88, $3  }
0x1: {  	(tag) =	ssettag $0x0;
	lr =	simm.s32 $0x1  }
0x2: {  	[smem:$0x3F9E] =	sst lr;
	_ =	strace $0xD0000000  }
0x3: {  	_ = 	snop  }
0x4: {  	_ = 	snop  }
0x5: {  	_ = 	snop  }
0x6: {  	_ = 	snop  }
0x7: {  	_ = 	snop  }
__scs_overlays_trampoline_lowered:
0x8: {  	[smem:$0x3FAD] =	sst s0  }
0x9: {  	[smem:$0x3FAE] =	sst s1  }
0xa: {  	[smem:$0x3FAF] =	sst s2  }
0xb: {  	[smem:$0x3FB0] =	sst s3  }
0xc: {  	[smem:$0x3FB1] =	sst s4  }
0xd: {  	[smem:$0x3FB2] =	sst s5  }
0xe: {  	[smem:$0x3FB3] =	sst s6  }
0xf: {  	[smem:$0x3FB4] =	sst s7  }
0x10: {  	[smem:$0x3FB5] =	sst s8  }
0x11: {  	[smem:$0x3FB6] =	sst s9;
	s0 =	simm.s32 @!p0 $0x0  }
0x12: {  	s1 =	sld [smem:$0x3F9C];
	s0 =	simm.s32 @p0 $0x1  }
0x13: {  	[smem:$0x3FB7] =	sst s0;
	s0 =	simm.s32 @!p1 $0x0  }
0x14: {  	s2 =	sld [smem:$0x3F9B];
	s0 =	simm.s32 @p1 $0x1  }
0x15: {  	[smem:$0x3FB8] =	sst s0;
	s0 =	simm.s32 @!p2 $0x0  }
0x16: {  	s3 =	sld [smem:$0x3FDB];
	s0 =	simm.s32 @p2 $0x1  }
0x17: {  	s4 =	simm.s32 $0x1BF5;
	[smem:$0x3FBA] =	sst s0  }
0x18: {  	s0 =	sld [smem:$0x3F9D];
	_ =	swait.ge [sflag:s4], $0x0  }
0x19: {  	s7 =	sld [smem:$0x3F9E]  }
0x1a: {  	s8 =	sadd.s32 $0xFFFFE003, lr  }
0x1b: {  	s9 =	sadd.s32 $0xFFFFFEF7, lr;
	s5 =	simm.s32 $0xFFFFFFFF;
	p2 =	slt.u32 s8, $0xFFFFF086  }
0x1c: {  	p1 =	slt.u32 s9, $0xF7A;
	s5 =	simm.s32 @!p2 $0x0  }
0x1d: {  	s5 =	simm.s32 @p1 $0x1;
	p0 =	seq.s32 s7, s2  }
0x1e: {  	s7 =	smul.u32 @!p0 $0xF7A, s2;
	p2 =	seq.s32 @!p0 s5, $0x0  }
0x1f: {  	s9 =	smul.u32 $0xF7A, s1;
	s8 =	simm.s32 @!p0 $0x1BF5;
	p2 =	por !p2, p0  }
0x20: {  	[sflag:s8] =	ssyncset.s32 @!p0 $0xFFFFF086;
	s6 =	sadd.s32 @!p0 s3, s7;
	s7 =	simm.s32 @!p0 $0x108  }
0x21: {  	s3 =	sadd.s32 s3, s9;
	s6 =	sadd.s32 @!p0 $0x88, s6;
	s7 =	simm.s32 @p2 $0x1082  }
0x22: {  	[simem:s7], [sflag:s8] =	dma.local @!p0 [hbm:s6], $0xF7A  }
0x23: {  	s9 =	sor.u32 $0xD0000000, s2;
	s6 =	simm.s32 $0x108;
	_ =	swait.ge @!p0 [sflag:s8], $0x0  }
0x24: {  	s3 =	sadd.s32 $0x88, s3;
	s6 =	simm.s32 @!p1 $0x1082;
	[sflag:s4] =	ssyncset.s32 $0xFFFFF086  }
0x25: {  	[simem:s6], [sflag:s4] =	dma.local [hbm:s3], $0xF7A  }
0x26: {  	[smem:$0x3F9E] =	sst s1;
	(tag) =	ssettag s2;
	_ =	strace s9  }
0x27: {  	s1 =	sld [smem:$0x3FAE]  }
0x28: {  	s2 =	sld [smem:$0x3FAF]  }
0x29: {  	s4 =	sld [smem:$0x3FB1]  }
0x2a: {  	p0 =	seq.s32 s5, $0x0;
	s5 =	sld [smem:$0x3FB2]  }
0x2b: {  	s6 =	sld [smem:$0x3FB3]  }
0x2c: {  	s7 =	sld [smem:$0x3FB4]  }
0x2d: {  	s3 =	simm.s32 $0x108;
	s8 =	sld [smem:$0x3FB5]  }
0x2e: {  	s3 =	simm.s32 @!p0 $0x1082;
	s9 =	sld [smem:$0x3FB6]  }
0x2f: {  	lr =	sadd.s32 s0, s3;
	s0 =	sld [smem:$0x3FAD]  }
0x30: {  	s3 =	sld [smem:$0x3FB0]  }
0x31: {  	[smem:$0x3FB9] =	sst s10  }
0x32: {  	s10 =	sld [smem:$0x3FB7];
	_ =	sdelay $0x3  }
0x33: {  	p0 =	seq.s32 s10, $0x1;
	s10 =	sld [smem:$0x3FB9];
	_ =	sdelay $0x3  }
0x34: {  	[smem:$0x3FB9] =	sst s10  }
0x35: {  	s10 =	sld [smem:$0x3FB8];
	_ =	sdelay $0x3  }
0x36: {  	p1 =	seq.s32 s10, $0x1;
	s10 =	sld [smem:$0x3FB9];
	_ =	sdelay $0x3  }
0x37: {  	[smem:$0x3FB9] =	sst s10  }
0x38: {  	s10 =	sld [smem:$0x3FBA]  }
0x39: {  	_ = 	snop;
	(pc) =	sbr.ind lr, $3  }
0x3a: {  	_ = 	snop  }
0x3b: {  	_ = 	snop  }
0x3c: {  	p2 =	seq.s32 s10, $0x1;
	s10 =	sld [smem:$0x3FB9]  }
0x3d: {  	_ =	shalt  }
0x3e: {  	_ =	shalt  }
0x3f: {  	_ =	shalt  }
0x40: {  	_ =	shalt  }
0x41: {  	_ =	shalt  }
0x42: {  	_ =	shalt  }
0x43: {  	_ =	shalt  }
0x44: {  	_ =	shalt  }
0x45: {  	_ =	shalt  }
0x46: {  	_ =	shalt  }
0x47: {  	_ =	shalt  }
0x48: {  	_ =	shalt  }
0x49: {  	_ =	shalt  }
0x4a: {  	_ =	shalt  }
0x4b: {  	_ =	shalt  }
0x4c: {  	_ =	shalt  }
0x4d: {  	_ =	shalt  }
0x4e: {  	_ =	shalt  }
0x4f: {  	_ =	shalt  }
0x50: {  	_ =	shalt  }
0x51: {  	_ =	shalt  }
0x52: {  	_ =	shalt  }
0x53: {  	_ =	shalt  }
0x54: {  	_ =	shalt  }
0x55: {  	_ =	shalt  }
0x56: {  	_ =	shalt  }
0x57: {  	_ =	shalt  }
0x58: {  	_ =	shalt  }
0x59: {  	_ =	shalt  }
0x5a: {  	_ =	shalt  }
0x5b: {  	_ =	shalt  }
0x5c: {  	_ =	shalt  }
0x5d: {  	_ =	shalt  }
0x5e: {  	_ =	shalt  }
0x5f: {  	_ =	shalt  }
0x60: {  	_ =	shalt  }
0x61: {  	_ =	shalt  }
0x62: {  	_ =	shalt  }
0x63: {  	_ =	shalt  }
0x64: {  	_ =	shalt  }
0x65: {  	_ =	shalt  }
0x66: {  	_ =	shalt  }
0x67: {  	_ =	shalt  }
0x68: {  	_ =	shalt  }
0x69: {  	_ =	shalt  }
0x6a: {  	_ =	shalt  }
0x6b: {  	_ =	shalt  }
0x6c: {  	_ =	shalt  }
0x6d: {  	_ =	shalt  }
0x6e: {  	_ =	shalt  }
0x6f: {  	_ =	shalt  }
0x70: {  	_ =	shalt  }
0x71: {  	_ =	shalt  }
0x72: {  	_ =	shalt  }
0x73: {  	_ =	shalt  }
0x74: {  	_ =	shalt  }
0x75: {  	_ =	shalt  }
0x76: {  	_ =	shalt  }
0x77: {  	_ =	shalt  }
0x78: {  	_ =	shalt  }
0x79: {  	_ =	shalt  }
0x7a: {  	_ =	shalt  }
0x7b: {  	_ =	shalt  }
0x7c: {  	_ =	shalt  }
0x7d: {  	_ =	shalt  }
0x7e: {  	_ =	shalt  }
0x7f: {  	_ =	shalt  }
0x80: {  	_ =	shalt  }
0x81: {  	_ =	shalt  }
0x82: {  	_ =	shalt  }
0x83: {  	_ =	shalt  }
0x84: {  	_ =	shalt  }
0x85: {  	_ =	shalt  }
0x86: {  	_ =	shalt  }
0x87: {  	_ =	shalt  }
.Lfunc_end0:
.L_simem_size_0:
called_computation_lowered:
.L_overlay_start_0:
0x88: {  	s2 =	sld [smem:$0x3FD9]  }
0x89: {  	s3 =	sld [smem:$0x3FFE];
	_ =	sdelay $0x1  }
0x8a: {  	s1 =	srdreg.scid  }
0x8b: {  	s0 =	sand.u32 $0x1, s1  }
0x8c: {  	s17 =	sshll.u32 s0, $0xA;
	s2 =	sadd.s32 s3, s2  }
0x8d: {  	s2 =	sadd.s32 s2, s17  }
0x8e: {  	[smem:$0x3FC5] =	sst s2  }
0x8f: {  	_ = 	snop  }
0x90: {  	s2 =	sld [smem:$0x3FD0];
	(tm) =	ssettm $0x1  }
0x91: {  	s18 =	sld [smem:$0x3FFB];
	_ =	sdelay $0x3  }
0x92: {  	_ =	strace s18  }
0x93: {  	s3 =	sld [smem:$0x3FFC];
	_ =	sdelay $0x3  }
0x94: {  	_ =	strace s3  }
0x95: {  	s3 =	sld [smem:$0x3FFD];
	_ =	sdelay $0x3  }
0x96: {  	_ =	strace s3  }
0x97: {  	_ =	strace $0x8FFFFFFF  }
0x98: {  	s19 =	sld [smem:$0x3FDB];
	_ =	sdelay $0x1  }
0x99: {  	s4 =	simm.s32 $_scs_section_size  }
0x9a: {  	s5 =	simm.s32 $_size__tile_overlayer_lowered;
	s6 =	simm.s32 $_tile_overlayer_lowered  }
0x9b: {  	s22 =	simm.s32 $0x1BFF;
	s21 =	sshll.u32 s6, $0x1;
	s3 =	sadd.s32 s4, s19  }
0x9c: {  	s7 =	simm.s32 $0x0;
	s20 =	sshll.u32 s5, $0x1;
	s5 =	sadd.s32 s21, s3  }
0x9d: {  	[timem:s7], [sflag:s22] =	dma.local [hbm:s5], s20  }
0x9e: {  	_ =	swait.ge [sflag:s22], s20  }
0x9f: {  	s4 =	ssub.s32 $0x0, s20;
	[sflag:s22] =	ssyncset.done $0x0  }
0xa0: {  	[sflag:s22] =	ssyncadd.s32 s4;
	_ =	sdelay $0x1  }
0xa1: {  	s23 =	simm.s32 $0x1B8B  }
0xa2: {  	_ =	swait.ge [sflag:s23], $0x1  }
0xa3: {  	[sflag:s23] =	ssyncset.done $0x0  }
0xa4: {  	s25 =	simm.s32 $0x1B8E;
	s24 =	sld [smem:$0x3FFE];
	[sflag:s23] =	ssyncadd.s32 $0xFFFFFFFF  }
0xa5: {  	s26 =	simm.s32 $execute0_lowered;
	[smem:$0x3FD2] =	sst s25  }
0xa6: {  	s5 =	sshll.u32 s26, $0x1;
	_ =	strace $0x80000046;
	[dreg:$0x1] =	wrdreg $0xFFFFFFFF  }
0xa7: {  	s28 =	simm.s32 $_size_execute0_lowered;
	s3 =	sadd.s32 s3, s5;
	[dreg:$0x0] =	wrdreg $0x0  }
0xa8: {  	s5 =	sshll.u32 s28, $0x1;
	[dreg:$0x2] =	wrdreg s3  }
0xa9: {  	[dreg:$0x3] =	wrdreg s5  }
0xaa: {  	[dreg:$0x4] =	wrdreg $0xC0  }
0xab: {  	_ =	task [dreg:s7], $0x5FFFF  }
0xac: {  	[dreg:$0x1] =	wrdreg $0xFFFFFFFF  }
0xad: {  	[dreg:$0x0] =	wrdreg $0x60  }
0xae: {  	[dreg:$0x2] =	wrdreg s2  }
0xaf: {  	[dreg:$0x3] =	wrdreg s24  }
0xb0: {  	[dreg:$0x4] =	wrdreg $0x9  }
0xb1: {  	_ =	task.clear_ibuf [dreg:s7], $0x5FFFF;
	_ =	strace $0x90000046  }
0xb2: {  	s29 =	simm.s32 $0x9;
	_ =	strace $0x80000048  }
0xb3: {  	_ =	swait.ge [sflag:s29], $0x1  }
0xb4: {  	[sflag:s29] =	ssyncadd.s32 $0xFFFFFFFF  }
0xb5: {  	_ =	strace $0x90000048  }
0xb6: {  	_ =	sfence  }
0xb7: {  	s30 =	sld [smem:$0x0];
	_ =	sdelay $0x2  }
0xb8: {  	s31 =	sshll.u32 s1, $0xD;
	s1 =	sshrl.u32 s1, $0x2  }
0xb9: {  	s3 =	sand.u32 $0x4000, s31;
	s1 =	sadd.s32 s1, s30  }
0xba: {  	s0 =	sor.u32 s3, s0;
	s1 =	sshll.u32 s1, $0x11  }
0xbb: {  	s0 =	sor.u32 s1, s0  }
0xbc: {  	s0 =	sadd.s32 $0x8F2B, s0  }
0xbd: {  	[sflag:s0] =	ssyncadd.remote.s32 $0x1  }
0xbe: {  	_ =	sfence.sel $0xFFFF  }
0xbf: {  	[dreg:$0x0] =	wrdreg $0xFFFFFFFF;
	(pc) =	sbr.abs _section_cstart, $3  }
0xc0: {  	[dreg:$0x1] =	wrdreg $0xFFFFFFFF  }
0xc1: {  	_ =	task.clear_ibuf [dreg:s7], $0x2FFFF;
	_ =	strace $0x9FFFFFFF  }
0xc2: {  	(tm) =	ssettm $0x7FFFFFFF  }
0xc3: {  	_ =	shalt  }
tec
execute0_lowered:
.L_overlay_start_1:
0x0: {  	(tag) =	ssettag $0x1  }
0x1: {  	s8 =	rddreg [dreg:$0x0]  }
0x2: {  	s10 =	rddreg [dreg:$0x1]  }
0x3: {  	s0 =	rddreg [dreg:$0x2];
	s3 =	srdreg.scid  }
0x4: {  	s1 =	stileid.u32;
	s2 =	simm.s32 $0x0;
	s17 =	simm.s32 $0x2000  }
0x5: {  	s20 =	simm.s32 $0xC010;
	s21 =	simm.s32 $0x6000;
	s22 =	simm.s32 $0x8000  }
0x6: {  	s23 =	simm.s32 $0x0;
	s3 =	sand.u32 $0x1, s3;
	s4 =	sshll.u32 s1, $0x1  }
0x7: {  	[smem:$0x7FF] =	sst s2;
	s11 =	sadd.s32 $0x30400, s10;
	s12 =	sadd.s32 $0x20400, s10  }
0x8: {  	s9 =	sadd.s32 $0x400, s8;
	s6 =	sor.u32 s3, s4;
	s3 =	ssub.s32 $0x2, s3  }
0x9: {  	_ =	strace $0x80000047;
	s18 =	smul.u32 $0x402, s6;
	s29 =	sshrl.u32 s3, $0x1  }
0xa: {  	s30 =	sshll.u32 s6, $0xC;
	s7 =	sshll.u32 s6, $0xB;
	s13 =	sshllo.u32 s6, $0x1  }
0xb: {  	s15 =	ssub.s32 s3, s29;
	s3 =	sadd.s32 s8, s30;
	s4 =	sadd.s32 s30, s9  }
0xc: {  	s5 =	sadd.s32 s10, s7;
	s6 =	sadd.s32 s11, s7;
	s7 =	sadd.s32 s12, s7  }
0xd: {  	s16 =	sshll.u32 s13, $0xB;
	s31 =	sshll.u32 s13, $0xA;
	s19 =	smul.u32 $0x201, s13  }
0xe: {  	s14 =	sadd.s32 s18, s10;
	s8 =	sadd.s32 s8, s16;
	s9 =	sadd.s32 s16, s9  }
0xf: {  	s10 =	sadd.s32 s10, s31;
	s11 =	sadd.s32 s11, s31;
	s12 =	sadd.s32 s12, s31  }
0x10: {  	v2 =	vimm.s32 $0x0;
	s15 =	smax.u32 s15, $0x1;
	s16 =	simm.s32 $0x1;
	v0 =	vmov s18;
	s18 =	simm.s32 $0x4000  }
0x11: {  	v3 =	vlaneseq.u32;
	v4 =	vimm.s32 $0x1;
	s13 =	sadd.s32 $0x10000, s14;
	s14 =	sadd.s32 $0x18200, s14;
	v1 =	vmov s19;
	s19 =	simm.s32 $0xA000  }
.LBB2_1:
0x12: {  	s24 =	simm.s32 $0x40;
	s25 =	simm.s32 $0x0  }
.LBB2_2:
0x13: {  	p0 =	sne.s32 s24, $0x8000;
	[tilespmem:s25+$0xA000] =	vst v2;
	s26 =	smov.u32 s24;
	s24 =	sadd.s32 $0x40, s24  }
.Ltmp0:
0x14: {  	[tilespmem:s25+$0xC010] =	vst v2;
	(pc) =	sbr.rel @p0 .LBB2_2-.Ltmp0, $2  }
0x15: {  	_ =	sdelay $0x2  }
0x16: {  	s25 =	sshra.s32 s26, $0x2  }
0x17: {  	[tilespmem:s25+$0xA000] =	vst v2  }
0x18: {  	[tilespmem:s25+$0xC010] =	vst v2;
	s24 =	simm.s32 $0x0  }
0x19: {  	[tilespmem:s24], [sflag:$0x1] =	stream.linear.gather [hbm4b:s3+s24], $0x2000, $0x38;
	[tilespmem:$0xE020] =	vst v63  }
0x1a: {  	_ =	swait.ge [sflag:s16], $0x2000  }
0x1b: {  	[sflag:s16] =	ssyncset.done $0x0  }
0x1c: {  	[sflag:s16] =	ssyncadd.s32 $0xFFFFE000  }
0x1d: {  	[tilespmem:s17], [sflag:$0x1] =	stream.linear.gather [hbm4b:s4+s24], $0x2000, $0x38;
	[tilespmem:$0xE020] =	vst v63  }
0x1e: {  	_ =	swait.ge [sflag:s16], $0x2000  }
0x1f: {  	[sflag:s16] =	ssyncset.done $0x0  }
0x20: {  	[sflag:s16] =	ssyncadd.s32 $0xFFFFE000  }
0x21: {  	[tilespmem:s18], [sflag:$0x1] =	stream.linear.gather [hbm4b:s5+s24], $0x2000, $0x38;
	[tilespmem:$0xE020] =	vst v63  }
0x22: {  	_ =	swait.ge [sflag:s16], $0x2000  }
0x23: {  	[sflag:s16] =	ssyncset.done $0x0  }
0x24: {  	s31 =	simm.s32 $0x0;
	[sflag:s16] =	ssyncadd.s32 $0xFFFFE000  }
0x25: {  	v5 =	vld [tilespmem:s31+$0x4000]  }
0x26: {  	v6 =	vld [tilespmem:s31+$0x0]  }
0x27: {  	v7 =	vld [tilespmem:s31+$0x2000];
	_ =	sdelay $0x3  }
0x28: {  	vm0 =	veq.s32 v5, $0x0  }
0x29: {  	v5 =	vsel vm0, $0x200, v6;
	v7 =	vsel vm0, $0x200, v7  }
0x2a: {  	v6 =	vshll.u32 v5, $0x4;
	v9 =	vmul.u32 $0x8040, v7  }
0x2b: {  	v8 =	vmul.u32 $0x8040, v5;
	v5 =	vadd.s32 v0, v5;
	v6 =	vor.u32 v3, v6  }
0x2c: {  	v10 =	vadd.s32 v0, v7;
	v7 =	vshll.u32 v7, $0x4;
	v5 =	vadd.s32 v9, v5  }
0x2d: {  	[tilespmem:s31+$0x8000] =	vst v5;
	v5 =	vor.u32 v3, v7  }
0x2e: {  	v8 =	vadd.s32 v8, v10  }
0x2f: {  	[tilespmem:s31+$0x6000] =	vst v8  }
0x30: {  	s25 =	simm.s32 $0x80;
	s24 =	simm.s32 $0x40;
	[tilespmem:v6+s19+$0x0] =	vst.idx.add.s32.msk $0xffff, v4  }
.LBB2_4:
0x31: {  	p0 =	sne.s32 s25, $0x7FC0  }
0x32: {  	s26 =	sshra.s32 s24, $0x2;
	[tilespmem:v5+s20+$0x0] =	vst.idx.add.s32.msk $0xffff, v4;
	s24 =	smov.u32 s25;
	s25 =	sadd.s32 $0x40, s25  }
0x33: {  	v5 =	vld [tilespmem:s26+$0x4000]  }
0x34: {  	v6 =	vld [tilespmem:s26+$0x0]  }
0x35: {  	v7 =	vld [tilespmem:s26+$0x2000];
	_ =	sdelay $0x2  }
0x36: {  	vm0 =	veq.s32 v5, $0x0  }
0x37: {  	v6 =	vsel vm0, $0x200, v6  }
0x38: {  	v5 =	vsel vm0, $0x200, v7;
	v7 =	vmul.u32 $0x8040, v6;
	v8 =	vshll.u32 v6, $0x4  }
0x39: {  	v9 =	vmul.u32 $0x8040, v5;
	v8 =	vor.u32 v3, v8;
	v10 =	vshll.u32 v5, $0x4  }
.Ltmp1:
0x3a: {  	v11 =	vadd.s32 v0, v5;
	v5 =	vor.u32 v3, v10;
	(pc) =	sbr.rel @p0 .LBB2_4-.Ltmp1, $4  }
0x3b: {  	v6 =	vadd.s32 v0, v6;
	v7 =	vadd.s32 v7, v11  }
0x3c: {  	v6 =	vadd.s32 v9, v6;
	[tilespmem:s26+$0x6000] =	vst v7  }
0x3d: {  	[tilespmem:s26+$0x8000] =	vst v6  }
0x3e: {  	[tilespmem:v8+s19+$0x0] =	vst.idx.add.s32.msk $0xffff, v4  }
0x3f: {  	_ =	sdelay $0x3  }
0x40: {  	s24 =	sshra.s32 s24, $0x2;
	[tilespmem:v5+s20+$0x0] =	vst.idx.add.s32.msk $0xffff, v4  }
0x41: {  	v5 =	vld [tilespmem:s24+$0x4000]  }
0x42: {  	v6 =	vld [tilespmem:s24+$0x0]  }
0x43: {  	v7 =	vld [tilespmem:s24+$0x2000];
	_ =	sdelay $0x2  }
0x44: {  	vm0 =	veq.s32 v5, $0x0  }
0x45: {  	v5 =	vsel vm0, $0x200, v6  }
0x46: {  	v6 =	vsel vm0, $0x200, v7;
	v7 =	vshll.u32 v5, $0x4  }
0x47: {  	v8 =	vmul.u32 $0x8040, v5;
	v9 =	vshll.u32 v6, $0x4;
	v7 =	vor.u32 v3, v7  }
0x48: {  	v10 =	vmul.u32 $0x8040, v6;
	v6 =	vadd.s32 v0, v6;
	v9 =	vor.u32 v3, v9  }
0x49: {  	v5 =	vadd.s32 v0, v5;
	v6 =	vadd.s32 v8, v6  }
0x4a: {  	v5 =	vadd.s32 v10, v5;
	[tilespmem:s24+$0x6000] =	vst v6  }
0x4b: {  	[tilespmem:s24+$0x8000] =	vst v5  }
0x4c: {  	[tilespmem:v7+s19+$0x0] =	vst.idx.add.s32.msk $0xffff, v4  }
0x4d: {  	s30 =	simm.s32 $0x0;
	[tilespmem:v9+s20+$0x0] =	vst.idx.add.s32.msk $0xffff, v4  }
0x4e: {  	[hbm4b:s6+s30] =	stream.linear.scatter [tilespmem:s21], [sflag:$0x1], $0x2000, $0x38;
	[tilespmem:$0xE020] =	vst v63  }
0x4f: {  	_ =	swait.ge [sflag:s16], $0x2000  }
0x50: {  	[sflag:s16] =	ssyncset.done $0x0  }
0x51: {  	[sflag:s16] =	ssyncadd.s32 $0xFFFFE000  }
0x52: {  	[hbm4b:s7+s30] =	stream.linear.scatter [tilespmem:s22], [sflag:$0x1], $0x2000, $0x38;
	[tilespmem:$0xE020] =	vst v63  }
0x53: {  	_ =	swait.ge [sflag:s16], $0x2000  }
0x54: {  	[sflag:s16] =	ssyncset.done $0x0  }
0x55: {  	[sflag:s16] =	ssyncadd.s32 $0xFFFFE000  }
0x56: {  	[tilespmem:s30], [sflag:$0x1] =	stream.linear.gather [hbm4b:s8+s30], $0x2000, $0x38;
	[tilespmem:$0xE020] =	vst v63  }
0x57: {  	_ =	swait.ge [sflag:s16], $0x2000  }
0x58: {  	[sflag:s16] =	ssyncset.done $0x0  }
0x59: {  	[sflag:s16] =	ssyncadd.s32 $0xFFFFE000  }
0x5a: {  	[tilespmem:s17], [sflag:$0x1] =	stream.linear.gather [hbm4b:s9+s30], $0x2000, $0x38;
	[tilespmem:$0xE020] =	vst v63  }
0x5b: {  	_ =	swait.ge [sflag:s16], $0x2000  }
0x5c: {  	[sflag:s16] =	ssyncset.done $0x0  }
0x5d: {  	[sflag:s16] =	ssyncadd.s32 $0xFFFFE000  }
0x5e: {  	[tilespmem:s18], [sflag:$0x1] =	stream.linear.gather [hbm4b:s10+s30], $0x2000, $0x38;
	[tilespmem:$0xE020] =	vst v63  }
0x5f: {  	_ =	swait.ge [sflag:s16], $0x2000  }
0x60: {  	[sflag:s16] =	ssyncset.done $0x0  }
0x61: {  	s31 =	simm.s32 $0x0;
	[sflag:s16] =	ssyncadd.s32 $0xFFFFE000  }
0x62: {  	v5 =	vld [tilespmem:s31+$0x4000]  }
0x63: {  	v6 =	vld [tilespmem:s31+$0x0]  }
0x64: {  	v7 =	vld [tilespmem:s31+$0x2000];
	_ =	sdelay $0x3  }
0x65: {  	vm15 =	veq.s32 v5, $0x0  }
0x66: {  	v5 =	vsel vm15, $0x200, v6;
	v7 =	vsel vm15, $0x200, v7  }
0x67: {  	v6 =	vshll.u32 v5, $0x4;
	v62 =	vmul.u32 $0x8040, v7  }
0x68: {  	v61 =	vmul.u32 $0x8040, v5;
	v5 =	vadd.s32 v1, v5;
	v6 =	vor.u32 v3, v6  }
0x69: {  	v63 =	vadd.s32 v1, v7;
	v7 =	vshll.u32 v7, $0x4;
	v5 =	vadd.s32 v62, v5  }
0x6a: {  	[tilespmem:s31+$0x8000] =	vst v5;
	v5 =	vor.u32 v3, v7  }
0x6b: {  	v8 =	vadd.s32 v61, v63  }
0x6c: {  	[tilespmem:s31+$0x6000] =	vst v8  }
0x6d: {  	s25 =	simm.s32 $0x80;
	s24 =	simm.s32 $0x40;
	[tilespmem:v6+s19+$0x0] =	vst.idx.add.s32.msk $0xffff, v4  }
.LBB2_6:
0x6e: {  	p0 =	sne.s32 s25, $0x7FC0  }
0x6f: {  	s26 =	sshra.s32 s24, $0x2;
	[tilespmem:v5+s20+$0x0] =	vst.idx.add.s32.msk $0xffff, v4;
	s24 =	smov.u32 s25;
	s25 =	sadd.s32 $0x40, s25  }
0x70: {  	v5 =	vld [tilespmem:s26+$0x4000]  }
0x71: {  	v6 =	vld [tilespmem:s26+$0x0]  }
0x72: {  	v7 =	vld [tilespmem:s26+$0x2000];
	_ =	sdelay $0x2  }
0x73: {  	vm0 =	veq.s32 v5, $0x0  }
0x74: {  	v6 =	vsel vm0, $0x200, v6  }
0x75: {  	v5 =	vsel vm0, $0x200, v7;
	v7 =	vmul.u32 $0x8040, v6;
	v8 =	vshll.u32 v6, $0x4  }
0x76: {  	v9 =	vmul.u32 $0x8040, v5;
	v8 =	vor.u32 v3, v8;
	v10 =	vshll.u32 v5, $0x4  }
.Ltmp2:
0x77: {  	v11 =	vadd.s32 v1, v5;
	v5 =	vor.u32 v3, v10;
	(pc) =	sbr.rel @p0 .LBB2_6-.Ltmp2, $4  }
0x78: {  	v6 =	vadd.s32 v1, v6;
	v7 =	vadd.s32 v7, v11  }
0x79: {  	v6 =	vadd.s32 v9, v6;
	[tilespmem:s26+$0x6000] =	vst v7  }
0x7a: {  	[tilespmem:s26+$0x8000] =	vst v6  }
0x7b: {  	[tilespmem:v8+s19+$0x0] =	vst.idx.add.s32.msk $0xffff, v4  }
0x7c: {  	_ =	sdelay $0x3  }
0x7d: {  	s24 =	sshra.s32 s24, $0x2;
	[tilespmem:v5+s20+$0x0] =	vst.idx.add.s32.msk $0xffff, v4  }
0x7e: {  	v5 =	vld [tilespmem:s24+$0x4000]  }
0x7f: {  	v6 =	vld [tilespmem:s24+$0x0]  }
0x80: {  	v7 =	vld [tilespmem:s24+$0x2000];
	_ =	sdelay $0x2  }
0x81: {  	vm0 =	veq.s32 v5, $0x0  }
0x82: {  	v5 =	vsel vm0, $0x200, v6  }
0x83: {  	v6 =	vsel vm0, $0x200, v7;
	v7 =	vshll.u32 v5, $0x4  }
0x84: {  	v8 =	vmul.u32 $0x8040, v5;
	v9 =	vshll.u32 v6, $0x4;
	v7 =	vor.u32 v3, v7  }
0x85: {  	v10 =	vmul.u32 $0x8040, v6;
	v6 =	vadd.s32 v1, v6;
	v9 =	vor.u32 v3, v9  }
0x86: {  	v5 =	vadd.s32 v1, v5;
	v6 =	vadd.s32 v8, v6  }
0x87: {  	v5 =	vadd.s32 v10, v5;
	[tilespmem:s24+$0x6000] =	vst v6  }
0x88: {  	[tilespmem:s24+$0x8000] =	vst v5  }
0x89: {  	[tilespmem:v7+s19+$0x0] =	vst.idx.add.s32.msk $0xffff, v4  }
0x8a: {  	[tilespmem:v9+s20+$0x0] =	vst.idx.add.s32.msk $0xffff, v4  }
0x8b: {  	[hbm4b:s11+s2] =	stream.linear.scatter [tilespmem:s21], [sflag:$0x1], $0x2000, $0x38;
	[tilespmem:$0xE020] =	vst v63  }
0x8c: {  	_ =	swait.ge [sflag:s16], $0x2000  }
0x8d: {  	[sflag:s16] =	ssyncset.done $0x0  }
0x8e: {  	[sflag:s16] =	ssyncadd.s32 $0xFFFFE000  }
0x8f: {  	[hbm4b:s12+s2] =	stream.linear.scatter [tilespmem:s22], [sflag:$0x1], $0x2000, $0x38;
	[tilespmem:$0xE020] =	vst v63  }
0x90: {  	_ =	swait.ge [sflag:s16], $0x2000  }
0x91: {  	[sflag:s16] =	ssyncset.done $0x0  }
0x92: {  	[sflag:s16] =	ssyncadd.s32 $0xFFFFE000  }
0x93: {  	[hbm4b:s13+s2] =	stream.linear.scatter [tilespmem:s19], [sflag:$0x1], $0x2010, $0x38;
	[tilespmem:$0xE020] =	vst v63  }
0x94: {  	s23 =	sadd.s32 $0x1, s23;
	_ =	swait.ge [sflag:s16], $0x2010  }
0x95: {  	p0 =	sne.s32 s23, s15;
	[sflag:s16] =	ssyncset.done $0x0  }
.Ltmp3:
0x96: {  	[sflag:s16] =	ssyncadd.s32 $0xFFFFDFF0;
	(pc) =	sbr.rel @p0 .LBB2_1-.Ltmp3, $4  }
0x97: {  	[hbm4b:s14+s2] =	stream.linear.scatter [tilespmem:s20], [sflag:$0x1], $0x2010, $0x38;
	[tilespmem:$0xE020] =	vst v63  }
0x98: {  	_ =	swait.ge [sflag:s16], $0x2010  }
0x99: {  	[sflag:s16] =	ssyncset.done $0x0  }
0x9a: {  	[sflag:s16] =	ssyncadd.s32 $0xFFFFDFF0  }
0x9b: {  	_ =	sfence.sel $0x180000  }
0x9c: {  	[bflag:$0x0] =	sbarrier.arrive $0xFFFF  }
0x9d: {  	p0 =	sne.s32 s1, $0x0;
	_ =	strace $0x90000047  }
0x9e: {  	s0 =	sadd.s32 @!p0 $0x100000, s0;
	[bflag:$0x2] =	sbarrier.arrive $0xFFFF  }
0x9f: {  	[sflag:s0] =	ssyncadd.tile.s32 @!p0 $0x1;
	_ =	shalt  }
.Lfunc_end2:
_tile_overlayer_lowered:
.L_overlay_start_2:
0xa0: {  	(tag) =	ssettag $0x2  }
0xa1: {  	s0 =	rddreg [dreg:$0x0];
	s2 =	stileid.u32  }
0xa2: {  	s1 =	rddreg [dreg:$0x1];
	p0 =	sne.s32 s2, $0x0  }
0xa3: {  	s3 =	rddreg [dreg:$0x2];
	[bflag:$0x3] =	sbarrier.arrive $0xFFFF;
	s2 =	simm.s32 @!p0 $0x1C01  }
0xa4: {  	[timem:s3], [sflag:s2] =	dma.local @!p0 [hbm:s0], s1  }
0xa5: {  	s0 =	simm.s32 @!p0 $0x1  }
0xa6: {  	_ =	swait.ge @!p0 [sflag:s0], s1  }
0xa7: {  	s1 =	ssub.s32 @!p0 $0x0, s1;
	[sflag:s0] =	ssyncset.done @!p0 $0x0  }
0xa8: {  	[sflag:s0] =	ssyncadd.s32 @!p0 s1  }
0xa9: {  	[bflag:$0x3] =	sbarrier.arrive $0xFFFF  }
0xaa: {  	_ =	shalt  }

// kernel: kernel.7.cloned.1.call-start
scs
__scs_entry_jumppad:
0x0: {  	(pc) =	sbr.rel $0x88, $3  }
0x1: {  	(tag) =	ssettag $0x0;
	lr =	simm.s32 $0x1  }
0x2: {  	[smem:$0x3F9E] =	sst lr;
	_ =	strace $0xD0000000  }
0x3: {  	_ = 	snop  }
0x4: {  	_ = 	snop  }
0x5: {  	_ = 	snop  }
0x6: {  	_ = 	snop  }
0x7: {  	_ = 	snop  }
__scs_overlays_trampoline_lowered:
0x8: {  	[smem:$0x3FAD] =	sst s0  }
0x9: {  	[smem:$0x3FAE] =	sst s1  }
0xa: {  	[smem:$0x3FAF] =	sst s2  }
0xb: {  	[smem:$0x3FB0] =	sst s3  }
0xc: {  	[smem:$0x3FB1] =	sst s4  }
0xd: {  	[smem:$0x3FB2] =	sst s5  }
0xe: {  	[smem:$0x3FB3] =	sst s6  }
0xf: {  	[smem:$0x3FB4] =	sst s7  }
0x10: {  	[smem:$0x3FB5] =	sst s8  }
0x11: {  	[smem:$0x3FB6] =	sst s9;
	s0 =	simm.s32 @!p0 $0x0  }
0x12: {  	s1 =	sld [smem:$0x3F9C];
	s0 =	simm.s32 @p0 $0x1  }
0x13: {  	[smem:$0x3FB7] =	sst s0;
	s0 =	simm.s32 @!p1 $0x0  }
0x14: {  	s2 =	sld [smem:$0x3F9B];
	s0 =	simm.s32 @p1 $0x1  }
0x15: {  	[smem:$0x3FB8] =	sst s0;
	s0 =	simm.s32 @!p2 $0x0  }
0x16: {  	s3 =	sld [smem:$0x3FDB];
	s0 =	simm.s32 @p2 $0x1  }
0x17: {  	s4 =	simm.s32 $0x1BF5;
	[smem:$0x3FBA] =	sst s0  }
0x18: {  	s0 =	sld [smem:$0x3F9D];
	_ =	swait.ge [sflag:s4], $0x0  }
0x19: {  	s7 =	sld [smem:$0x3F9E]  }
0x1a: {  	s8 =	sadd.s32 $0xFFFFE003, lr  }
0x1b: {  	s9 =	sadd.s32 $0xFFFFFEF7, lr;
	s5 =	simm.s32 $0xFFFFFFFF;
	p2 =	slt.u32 s8, $0xFFFFF086  }
0x1c: {  	p1 =	slt.u32 s9, $0xF7A;
	s5 =	simm.s32 @!p2 $0x0  }
0x1d: {  	s5 =	simm.s32 @p1 $0x1;
	p0 =	seq.s32 s7, s2  }
0x1e: {  	s7 =	smul.u32 @!p0 $0xF7A, s2;
	p2 =	seq.s32 @!p0 s5, $0x0  }
0x1f: {  	s9 =	smul.u32 $0xF7A, s1;
	s8 =	simm.s32 @!p0 $0x1BF5;
	p2 =	por !p2, p0  }
0x20: {  	[sflag:s8] =	ssyncset.s32 @!p0 $0xFFFFF086;
	s6 =	sadd.s32 @!p0 s3, s7;
	s7 =	simm.s32 @!p0 $0x108  }
0x21: {  	s3 =	sadd.s32 s3, s9;
	s6 =	sadd.s32 @!p0 $0x88, s6;
	s7 =	simm.s32 @p2 $0x1082  }
0x22: {  	[simem:s7], [sflag:s8] =	dma.local @!p0 [hbm:s6], $0xF7A  }
0x23: {  	s9 =	sor.u32 $0xD0000000, s2;
	s6 =	simm.s32 $0x108;
	_ =	swait.ge @!p0 [sflag:s8], $0x0  }
0x24: {  	s3 =	sadd.s32 $0x88, s3;
	s6 =	simm.s32 @!p1 $0x1082;
	[sflag:s4] =	ssyncset.s32 $0xFFFFF086  }
0x25: {  	[simem:s6], [sflag:s4] =	dma.local [hbm:s3], $0xF7A  }
0x26: {  	[smem:$0x3F9E] =	sst s1;
	(tag) =	ssettag s2;
	_ =	strace s9  }
0x27: {  	s1 =	sld [smem:$0x3FAE]  }
0x28: {  	s2 =	sld [smem:$0x3FAF]  }
0x29: {  	s4 =	sld [smem:$0x3FB1]  }
0x2a: {  	p0 =	seq.s32 s5, $0x0;
	s5 =	sld [smem:$0x3FB2]  }
0x2b: {  	s6 =	sld [smem:$0x3FB3]  }
0x2c: {  	s7 =	sld [smem:$0x3FB4]  }
0x2d: {  	s3 =	simm.s32 $0x108;
	s8 =	sld [smem:$0x3FB5]  }
0x2e: {  	s3 =	simm.s32 @!p0 $0x1082;
	s9 =	sld [smem:$0x3FB6]  }
0x2f: {  	lr =	sadd.s32 s0, s3;
	s0 =	sld [smem:$0x3FAD]  }
0x30: {  	s3 =	sld [smem:$0x3FB0]  }
0x31: {  	[smem:$0x3FB9] =	sst s10  }
0x32: {  	s10 =	sld [smem:$0x3FB7];
	_ =	sdelay $0x3  }
0x33: {  	p0 =	seq.s32 s10, $0x1;
	s10 =	sld [smem:$0x3FB9];
	_ =	sdelay $0x3  }
0x34: {  	[smem:$0x3FB9] =	sst s10  }
0x35: {  	s10 =	sld [smem:$0x3FB8];
	_ =	sdelay $0x3  }
0x36: {  	p1 =	seq.s32 s10, $0x1;
	s10 =	sld [smem:$0x3FB9];
	_ =	sdelay $0x3  }
0x37: {  	[smem:$0x3FB9] =	sst s10  }
0x38: {  	s10 =	sld [smem:$0x3FBA]  }
0x39: {  	_ = 	snop;
	(pc) =	sbr.ind lr, $3  }
0x3a: {  	_ = 	snop  }
0x3b: {  	_ = 	snop  }
0x3c: {  	p2 =	seq.s32 s10, $0x1;
	s10 =	sld [smem:$0x3FB9]  }
0x3d: {  	_ =	shalt  }
0x3e: {  	_ =	shalt  }
0x3f: {  	_ =	shalt  }
0x40: {  	_ =	shalt  }
0x41: {  	_ =	shalt  }
0x42: {  	_ =	shalt  }
0x43: {  	_ =	shalt  }
0x44: {  	_ =	shalt  }
0x45: {  	_ =	shalt  }
0x46: {  	_ =	shalt  }
0x47: {  	_ =	shalt  }
0x48: {  	_ =	shalt  }
0x49: {  	_ =	shalt  }
0x4a: {  	_ =	shalt  }
0x4b: {  	_ =	shalt  }
0x4c: {  	_ =	shalt  }
0x4d: {  	_ =	shalt  }
0x4e: {  	_ =	shalt  }
0x4f: {  	_ =	shalt  }
0x50: {  	_ =	shalt  }
0x51: {  	_ =	shalt  }
0x52: {  	_ =	shalt  }
0x53: {  	_ =	shalt  }
0x54: {  	_ =	shalt  }
0x55: {  	_ =	shalt  }
0x56: {  	_ =	shalt  }
0x57: {  	_ =	shalt  }
0x58: {  	_ =	shalt  }
0x59: {  	_ =	shalt  }
0x5a: {  	_ =	shalt  }
0x5b: {  	_ =	shalt  }
0x5c: {  	_ =	shalt  }
0x5d: {  	_ =	shalt  }
0x5e: {  	_ =	shalt  }
0x5f: {  	_ =	shalt  }
0x60: {  	_ =	shalt  }
0x61: {  	_ =	shalt  }
0x62: {  	_ =	shalt  }
0x63: {  	_ =	shalt  }
0x64: {  	_ =	shalt  }
0x65: {  	_ =	shalt  }
0x66: {  	_ =	shalt  }
0x67: {  	_ =	shalt  }
0x68: {  	_ =	shalt  }
0x69: {  	_ =	shalt  }
0x6a: {  	_ =	shalt  }
0x6b: {  	_ =	shalt  }
0x6c: {  	_ =	shalt  }
0x6d: {  	_ =	shalt  }
0x6e: {  	_ =	shalt  }
0x6f: {  	_ =	shalt  }
0x70: {  	_ =	shalt  }
0x71: {  	_ =	shalt  }
0x72: {  	_ =	shalt  }
0x73: {  	_ =	shalt  }
0x74: {  	_ =	shalt  }
0x75: {  	_ =	shalt  }
0x76: {  	_ =	shalt  }
0x77: {  	_ =	shalt  }
0x78: {  	_ =	shalt  }
0x79: {  	_ =	shalt  }
0x7a: {  	_ =	shalt  }
0x7b: {  	_ =	shalt  }
0x7c: {  	_ =	shalt  }
0x7d: {  	_ =	shalt  }
0x7e: {  	_ =	shalt  }
0x7f: {  	_ =	shalt  }
0x80: {  	_ =	shalt  }
0x81: {  	_ =	shalt  }
0x82: {  	_ =	shalt  }
0x83: {  	_ =	shalt  }
0x84: {  	_ =	shalt  }
0x85: {  	_ =	shalt  }
0x86: {  	_ =	shalt  }
0x87: {  	_ =	shalt  }
.Lfunc_end0:
.L_simem_size_0:
called_computation.1_lowered:
.L_overlay_start_0:
0x88: {  	s2 =	sld [smem:$0x3FD9]  }
0x89: {  	s3 =	sld [smem:$0x3FFE];
	_ =	sdelay $0x1  }
0x8a: {  	s1 =	srdreg.scid  }
0x8b: {  	s0 =	sand.u32 $0x1, s1  }
0x8c: {  	s17 =	sshll.u32 s0, $0xA;
	s2 =	sadd.s32 s3, s2  }
0x8d: {  	s2 =	sadd.s32 s2, s17  }
0x8e: {  	[smem:$0x3FC5] =	sst s2  }
0x8f: {  	_ = 	snop  }
0x90: {  	s2 =	sld [smem:$0x3FD0];
	(tm) =	ssettm $0x1  }
0x91: {  	s18 =	sld [smem:$0x3FFB];
	_ =	sdelay $0x3  }
0x92: {  	_ =	strace s18  }
0x93: {  	s3 =	sld [smem:$0x3FFC];
	_ =	sdelay $0x3  }
0x94: {  	_ =	strace s3  }
0x95: {  	s3 =	sld [smem:$0x3FFD];
	_ =	sdelay $0x3  }
0x96: {  	_ =	strace s3  }
0x97: {  	_ =	strace $0x8FFFFFFF  }
0x98: {  	s19 =	sld [smem:$0x3FDB];
	_ =	sdelay $0x1  }
0x99: {  	s4 =	simm.s32 $_scs_section_size  }
0x9a: {  	s5 =	simm.s32 $_size__tile_overlayer_lowered;
	s6 =	simm.s32 $_tile_overlayer_lowered  }
0x9b: {  	s22 =	simm.s32 $0x1BFF;
	s21 =	sshll.u32 s6, $0x1;
	s3 =	sadd.s32 s4, s19  }
0x9c: {  	s7 =	simm.s32 $0x0;
	s20 =	sshll.u32 s5, $0x1;
	s5 =	sadd.s32 s21, s3  }
0x9d: {  	[timem:s7], [sflag:s22] =	dma.local [hbm:s5], s20  }
0x9e: {  	_ =	swait.ge [sflag:s22], s20  }
0x9f: {  	s4 =	ssub.s32 $0x0, s20;
	[sflag:s22] =	ssyncset.done $0x0  }
0xa0: {  	[sflag:s22] =	ssyncadd.s32 s4;
	_ =	sdelay $0x1  }
0xa1: {  	s23 =	simm.s32 $0x1B8B  }
0xa2: {  	_ =	swait.ge [sflag:s23], $0x1  }
0xa3: {  	[sflag:s23] =	ssyncset.done $0x0  }
0xa4: {  	s25 =	simm.s32 $0x1B8E;
	s24 =	sld [smem:$0x3FFE];
	[sflag:s23] =	ssyncadd.s32 $0xFFFFFFFF  }
0xa5: {  	s26 =	simm.s32 $execute0_lowered;
	[smem:$0x3FD2] =	sst s25  }
0xa6: {  	s5 =	sshll.u32 s26, $0x1;
	_ =	strace $0x80000049;
	[dreg:$0x1] =	wrdreg $0xFFFFFFFF  }
0xa7: {  	s28 =	simm.s32 $_size_execute0_lowered;
	s3 =	sadd.s32 s3, s5;
	[dreg:$0x0] =	wrdreg $0x0  }
0xa8: {  	s5 =	sshll.u32 s28, $0x1;
	[dreg:$0x2] =	wrdreg s3  }
0xa9: {  	[dreg:$0x3] =	wrdreg s5  }
0xaa: {  	[dreg:$0x4] =	wrdreg $0xC0  }
0xab: {  	_ =	task [dreg:s7], $0x5FFFF  }
0xac: {  	[dreg:$0x1] =	wrdreg $0xFFFFFFFF  }
0xad: {  	[dreg:$0x0] =	wrdreg $0x60  }
0xae: {  	[dreg:$0x2] =	wrdreg s2  }
0xaf: {  	[dreg:$0x3] =	wrdreg s24  }
0xb0: {  	[dreg:$0x4] =	wrdreg $0x9  }
0xb1: {  	_ =	task.clear_ibuf [dreg:s7], $0x5FFFF;
	_ =	strace $0x90000049  }
0xb2: {  	s29 =	simm.s32 $0x9;
	_ =	strace $0x8000004B  }
0xb3: {  	_ =	swait.ge [sflag:s29], $0x1  }
0xb4: {  	[sflag:s29] =	ssyncadd.s32 $0xFFFFFFFF  }
0xb5: {  	_ =	strace $0x9000004B  }
0xb6: {  	_ =	sfence  }
0xb7: {  	s30 =	sld [smem:$0x0];
	_ =	sdelay $0x2  }
0xb8: {  	s31 =	sshll.u32 s1, $0xD;
	s1 =	sshrl.u32 s1, $0x2  }
0xb9: {  	s3 =	sand.u32 $0x4000, s31;
	s1 =	sadd.s32 s1, s30  }
0xba: {  	s0 =	sor.u32 s3, s0;
	s1 =	sshll.u32 s1, $0x11  }
0xbb: {  	s0 =	sor.u32 s1, s0  }
0xbc: {  	s0 =	sadd.s32 $0x8F2B, s0  }
0xbd: {  	[sflag:s0] =	ssyncadd.remote.s32 $0x1  }
0xbe: {  	_ =	sfence.sel $0xFFFF  }
0xbf: {  	[dreg:$0x0] =	wrdreg $0xFFFFFFFF;
	(pc) =	sbr.abs _section_cstart, $3  }
0xc0: {  	[dreg:$0x1] =	wrdreg $0xFFFFFFFF  }
0xc1: {  	_ =	task.clear_ibuf [dreg:s7], $0x2FFFF;
	_ =	strace $0x9FFFFFFF  }
0xc2: {  	(tm) =	ssettm $0x7FFFFFFF  }
0xc3: {  	_ =	shalt  }
tec
execute0_lowered:
.L_overlay_start_1:
0x0: {  	(tag) =	ssettag $0x1  }
0x1: {  	s1 =	rddreg [dreg:$0x0]  }
0x2: {  	s3 =	rddreg [dreg:$0x1]  }
0x3: {  	s0 =	rddreg [dreg:$0x2]  }
0x4: {  	s5 =	srdreg.scid;
	s4 =	simm.s32 $0x0;
	s2 =	stileid.u32  }
0x5: {  	s14 =	simm.s32 $0x1;
	s15 =	simm.s32 $0x8030;
	s16 =	simm.s32 $0x30  }
0x6: {  	s17 =	simm.s32 $0x0;
	s8 =	sand.u32 $0x1, s5;
	[smem:$0x7FF] =	sst s4  }
0x7: {  	s30 =	sshll.u32 s2, $0x5;
	s7 =	sadd.s32 $0x20400, s3;
	s10 =	sshll.u32 s2, $0xB  }
0x8: {  	s6 =	sshll.u32 s8, $0x4;
	_ =	strace $0x8000004A;
	s11 =	ssub.s32 $0x2, s8  }
0x9: {  	s10 =	sadd.s32 s10, s3;
	s13 =	sshll.u32 s8, $0xA;
	s5 =	sor.u32 s6, s30  }
0xa: {  	s6 =	sadd.s32 $0x10200, s3;
	s12 =	sshrl.u32 s11, $0x1;
	s31 =	sadd.s32 s13, s10  }
0xb: {  	s13 =	simm.s32 $0x18;
	s9 =	sshrl.u32 s5, $0x3;
	s11 =	ssub.s32 s11, s12  }
0xc: {  	v0 =	vimm.f32 $0.0e+00;
	s12 =	simm.s32 $0x2;
	s9 =	sadd.s32 s9, s3;
	s10 =	smax.u32 s11, $0x1  }
0xd: {  	v1 =	vlaneseq.u32;
	vm0 =	vmxor vm0, vm0;
	vm1 =	vcmask $0x2320;
	s11 =	sadd.s32 $0x30A00, s31;
	s8 =	sadd.s32 $0x30800, s9;
	s9 =	sadd.s32 $0x30600, s9  }
.LBB2_1:
0xe: {  	[tilespmem:s4], [sflag:$0x2] =	stream.linear.gather [hbm4b:s8+s4], $0x18, $0x38;
	[tilespmem:$0x8850] =	vst v63  }
0xf: {  	_ =	swait.ge [sflag:s12], $0x18  }
0x10: {  	[sflag:s12] =	ssyncset.done $0x0  }
0x11: {  	[sflag:s12] =	ssyncadd.s32 $0xFFFFFFE8  }
0x12: {  	[tilespmem:s13], [sflag:$0x2] =	stream.linear.gather [hbm4b:s9+s4], $0x18, $0x38;
	[tilespmem:$0x8850] =	vst v63  }
0x13: {  	_ =	swait.ge [sflag:s12], $0x18  }
0x14: {  	[sflag:s12] =	ssyncset.done $0x0  }
0x15: {  	[sflag:s12] =	ssyncadd.s32 $0xFFFFFFE8  }
0x16: {  	v2 =	vld [tilespmem:$0x0]  }
0x17: {  	v3 =	vld [tilespmem:$0x8]  }
0x18: {  	v4 =	vld [tilespmem:$0x18]  }
0x19: {  	s18 =	smov.u32 s11;
	s19 =	simm.s32 $0x0;
	v5 =	vld [tilespmem:$0x20]  }
.LBB2_3:
0x1a: {  	s22 =	smov.u32 s19;
	s21 =	simm.s32 $0x0;
	s19 =	simm.s32 $0x800  }
.LBB2_4:
0x1b: {  	p0 =	sne.s32 s19, $0x1F800;
	[tilespmem:s21+$0x220] =	vst v0  }
0x1c: {  	[tilespmem:s21+$0x30] =	vst v0  }
0x1d: {  	[tilespmem:s21+$0x40] =	vst v0  }
0x1e: {  	[tilespmem:s21+$0x50] =	vst v0  }
0x1f: {  	[tilespmem:s21+$0x60] =	vst v0  }
0x20: {  	[tilespmem:s21+$0x70] =	vst v0  }
0x21: {  	[tilespmem:s21+$0x80] =	vst v0  }
0x22: {  	[tilespmem:s21+$0x90] =	vst v0  }
0x23: {  	[tilespmem:s21+$0xA0] =	vst v0  }
0x24: {  	[tilespmem:s21+$0xB0] =	vst v0  }
0x25: {  	[tilespmem:s21+$0xC0] =	vst v0  }
0x26: {  	[tilespmem:s21+$0xD0] =	vst v0  }
0x27: {  	[tilespmem:s21+$0xE0] =	vst v0  }
0x28: {  	[tilespmem:s21+$0xF0] =	vst v0  }
0x29: {  	[tilespmem:s21+$0x100] =	vst v0  }
0x2a: {  	[tilespmem:s21+$0x110] =	vst v0  }
0x2b: {  	[tilespmem:s21+$0x120] =	vst v0  }
0x2c: {  	[tilespmem:s21+$0x130] =	vst v0  }
0x2d: {  	[tilespmem:s21+$0x140] =	vst v0  }
0x2e: {  	[tilespmem:s21+$0x150] =	vst v0  }
0x2f: {  	[tilespmem:s21+$0x160] =	vst v0  }
0x30: {  	[tilespmem:s21+$0x170] =	vst v0  }
0x31: {  	[tilespmem:s21+$0x180] =	vst v0  }
0x32: {  	[tilespmem:s21+$0x190] =	vst v0  }
0x33: {  	[tilespmem:s21+$0x1A0] =	vst v0  }
0x34: {  	[tilespmem:s21+$0x1B0] =	vst v0  }
0x35: {  	[tilespmem:s21+$0x1C0] =	vst v0  }
.Ltmp0:
0x36: {  	[tilespmem:s21+$0x1D0] =	vst v0;
	(pc) =	sbr.rel @p0 .LBB2_4-.Ltmp0, $4  }
0x37: {  	[tilespmem:s21+$0x1E0] =	vst v0  }
0x38: {  	[tilespmem:s21+$0x1F0] =	vst v0  }
0x39: {  	[tilespmem:s21+$0x200] =	vst v0  }
0x3a: {  	[tilespmem:s21+$0x210] =	vst v0;
	s21 =	sshra.s32 s19, $0x2;
	s19 =	sadd.s32 $0x800, s19  }
0x3b: {  	v6 =	vmov s22  }
0x3c: {  	vm2 =	veq.s32 v6, v1  }
0x3d: {  	v6 =	vnsel vm2, $0x0, v2  }
0x3e: {  	(xrf0) =	vadd.scan.msk.s32 $0xffff, v6  }
0x3f: {  	s19 =	sadd.s32 $0x1, s22  }
0x40: {  	p0 =	seq.s32 s22, $0xF;
	vm4 =	vmmov vm0;
	v6 =	vmov s19  }
0x41: {  	vm4 =	vmneg @p0 vm4;
	vm3 =	veq.s32 v6, v1  }
0x42: {  	vm4 =	vmand vm4, vm1;
	v6 =	vnsel vm3, $0x0, v2  }
0x43: {  	(xrf0) =	vadd.scan.msk.s32 $0xffff, v6;
	v6 =	vnsel vm4, $0x0, v3  }
0x44: {  	v7, _, _ =	vpop (xrf0);
	(xrf0) =	vadd.scan.msk.s32 $0xffff, v6  }
0x45: {  	(v2sf) =	vpush v7, $0xF;
	_ =	sdelay $0x3  }
0x46: {  	v6, _, _ =	vpop (xrf0)  }
0x47: {  	(v2sf) =	vpush v6, $0xF;
	v6, _, _ =	vpop (xrf0)  }
0x48: {  	(v2sf) =	vpush v6, $0xF  }
0x49: {  	[tilespmem:s21+$0x220] =	vst v0  }
0x4a: {  	[tilespmem:s21+$0x30] =	vst v0  }
0x4b: {  	[tilespmem:s21+$0x40] =	vst v0  }
0x4c: {  	[tilespmem:s21+$0x50] =	vst v0  }
0x4d: {  	[tilespmem:s21+$0x60] =	vst v0  }
0x4e: {  	[tilespmem:s21+$0x70] =	vst v0  }
0x4f: {  	[tilespmem:s21+$0x80] =	vst v0  }
0x50: {  	[tilespmem:s21+$0x90] =	vst v0  }
0x51: {  	[tilespmem:s21+$0xA0] =	vst v0;
	s20 =	spop (v2sf)  }
0x52: {  	[tilespmem:s21+$0xB0] =	vst v0;
	s23 =	sand.u32 $0x7, s20  }
0x53: {  	[tilespmem:s21+$0xC0] =	vst v0;
	s24 =	sshra.s32 s20, $0x1F;
	p5 =	slt.s32 s20, $0x1;
	p1 =	sne.s32 s23, $0x0  }
0x54: {  	[tilespmem:s21+$0xD0] =	vst v0;
	s26 =	sshrl.u32 s24, $0x1D;
	p0 =	por !p5, !p1  }
0x55: {  	[tilespmem:s21+$0xE0] =	vst v0;
	s24 =	simm.s32 $0x1;
	s20 =	sadd.s32 s26, s20;
	p0 =	por !p0, !p0  }
0x56: {  	[tilespmem:s21+$0xF0] =	vst v0;
	s25 =	spop (v2sf);
	s23 =	sshra.s32 s20, $0x3;
	s24 =	simm.s32 @!p0 $0x0  }
0x57: {  	[tilespmem:s21+$0x100] =	vst v0;
	s28 =	spop (v2sf);
	s26 =	ssub.s32 s23, s24  }
0x58: {  	[tilespmem:s21+$0x110] =	vst v0;
	s24 =	sadd.s32 s28, s25;
	s20 =	sshll.u32 s26, $0x3  }
0x59: {  	[tilespmem:s21+$0x120] =	vst v0;
	s25 =	ssub.s32 s24, s20  }
0x5a: {  	[tilespmem:s21+$0x130] =	vst v0;
	s25 =	sadd.s32 $0x3FF, s25  }
0x5b: {  	[tilespmem:s21+$0x140] =	vst v0;
	p1 =	sgt.s32 s25, $0x0  }
0x5c: {  	[tilespmem:s21+$0x150] =	vst v0;
	p2 =	slt.s32 s25, $0x1;
	s25 =	simm.s32 @!p1 $0x0  }
0x5d: {  	[tilespmem:s21+$0x160] =	vst v0;
	s29 =	sand.u32 $0x3FF, s25  }
0x5e: {  	[tilespmem:s21+$0x170] =	vst v0;
	p6 =	sne.s32 s29, $0x0  }
0x5f: {  	[tilespmem:s21+$0x180] =	vst v0;
	p1 =	por !p2, !p6  }
0x60: {  	[tilespmem:s21+$0x190] =	vst v0;
	s26 =	simm.s32 $0x1;
	p1 =	por !p1, !p1  }
0x61: {  	[tilespmem:s21+$0x1A0] =	vst v0;
	s30 =	sshrl.u32 s25, $0xA;
	s26 =	simm.s32 @!p1 $0x0  }
0x62: {  	[tilespmem:s21+$0x1B0] =	vst v0;
	s28 =	sor.u32 s5, s22;
	s22 =	ssub.s32 s30, s26  }
0x63: {  	[tilespmem:s21+$0x1C0] =	vst v0;
	p1 =	slt.s32 s22, $0x1  }
.Ltmp1:
0x64: {  	[tilespmem:s21+$0x1D0] =	vst v0;
	(pc) =	sbr.rel @p1 .LBB2_10-.Ltmp1, $4  }
0x65: {  	[tilespmem:s21+$0x1E0] =	vst v0  }
0x66: {  	[tilespmem:s21+$0x1F0] =	vst v0;
	s31 =	smul.u32 $0x8040, s28  }
0x67: {  	[tilespmem:s21+$0x200] =	vst v0  }
0x68: {  	[tilespmem:s21+$0x210] =	vst v0;
	v6 =	vmov s31  }
0x69: {  	s21 =	simm.s32 $0xFFFFFFFF  }
0x6a: {  	s21 =	simm.s32 @!p0 $0x0  }
0x6b: {  	s23 =	sshll.u32 s23, $0x3;
	s21 =	sshll.u32 s21, $0x3  }
0x6c: {  	v7 =	vbroadcast v7, $0xF;
	v8 =	vmov s24;
	s24 =	simm.s32 $0x0;
	s21 =	sadd.s32 s21, s23;
	s23 =	simm.s32 $0x0  }
.LBB2_7:
0x6d: {  	s25 =	sshll.u32 s24, $0xA  }
0x6e: {  	s25 =	sadd.s32 s20, s25  }
0x6f: {  	s25 =	sshrl.u32 s25, $0x3  }
0x70: {  	s28 =	simm.s32 $0x8030;
	s26 =	sadd.s32 s1, s25  }
0x71: {  	[tilespmem:s28], [sflag:$0x2] =	stream.linear.gather [hbm4b:s26+s23], $0x410, $0x38;
	[tilespmem:$0x8850] =	vst v63  }
0x72: {  	_ =	swait.ge [sflag:s12], $0x410  }
0x73: {  	[sflag:s12] =	ssyncset.done $0x0  }
0x74: {  	s31 =	sadd.s32 s6, s25;
	s25 =	simm.s32 $0x8440;
	[sflag:s12] =	ssyncadd.s32 $0xFFFFFBF0  }
0x75: {  	[tilespmem:s25], [sflag:$0x2] =	stream.linear.gather [hbm4b:s31+s23], $0x410, $0x38;
	[tilespmem:$0x8850] =	vst v63  }
0x76: {  	_ =	swait.ge [sflag:s12], $0x410  }
0x77: {  	[sflag:s12] =	ssyncset.done $0x0  }
0x78: {  	[sflag:s12] =	ssyncadd.s32 $0xFFFFFBF0  }
0x79: {  	v9 =	vld [tilespmem:s28+$0x0];
	_ =	sdelay $0x4  }
0x7a: {  	s30 =	simm.s32 $0x1;
	v10 =	vsub.s32 v9, v6  }
0x7b: {  	v11 =	vadd.s32 s30, v1;
	v12 =	vmul.u32 $0x3FE1, v10;
	_ =	sdelay $0x1  }
0x7c: {  	v12 =	vshra.s32 v12, $0x17  }
0x7d: {  	vm5 =	vgt.s32 v12, $0x0  }
0x7e: {  	v12 =	vnsel vm5, $0x0, v12  }
0x7f: {  	v11 =	vld.idx.msk [tilespmem:v11+s15+$0x0], $0xffff;
	v12 =	vmin.u32 v12, $0x3F  }
0x80: {  	v13 =	vmul.u32 $0xFFFFFDFF, v12  }
0x81: {  	s31 =	sadd.s32 $0x0, s21  }
0x82: {  	v14 =	vadd.s32 s31, v1;
	v10 =	vadd.s32 v10, v13  }
0x83: {  	vm6 =	vlt.s32 v14, v8;
	vm5 =	vge.s32 v14, v7;
	vm7 =	vgt.s32 v10, $0x0  }
0x84: {  	vm5 =	vmand vm5, vm6;
	vm6 =	vne.s32 v9, v11;
	v9 =	vnsel vm7, $0x0, v10  }
0x85: {  	vm5 =	vmand vm5, vm6;
	v10 =	vshll.u32 v12, $0x9;
	v9 =	vmin.u32 v9, $0x1FF  }
0x86: {  	v11 =	vld [tilespmem:s25+$0x0];
	v9 =	vor.u32 v10, v9;
	_ =	sdelay $0x4  }
0x87: {  	s28 =	simm.s32 $0x8040;
	[tilespmem:v9+s16+$0x0] =	vst.idx.msk vm5, v11  }
0x88: {  	s29 =	simm.s32 $0x20;
	s26 =	simm.s32 $0x10;
	v9 =	vld [tilespmem:s28+$0x0]  }
.LBB2_8:
0x89: {  	p0 =	sne.s32 s29, $0x3F0;
	_ =	sdelay $0x2  }
0x8a: {  	s30 =	sadd.s32 $0x1, s26  }
0x8b: {  	v10 =	vadd.s32 s30, v1;
	v11 =	vsub.s32 v9, v6  }
0x8c: {  	v12 =	vmul.u32 $0x3FE1, v11;
	_ =	sdelay $0x1  }
0x8d: {  	v12 =	vshra.s32 v12, $0x17  }
0x8e: {  	vm5 =	vgt.s32 v12, $0x0  }
0x8f: {  	v10 =	vld.idx.msk [tilespmem:v10+s15+$0x0], $0xffff;
	v12 =	vnsel vm5, $0x0, v12  }
0x90: {  	v12 =	vmin.u32 v12, $0x3F  }
0x91: {  	v13 =	vmul.u32 $0xFFFFFDFF, v12  }
0x92: {  	s30 =	sadd.s32 s26, s21;
	s26 =	smov.u32 s29  }
0x93: {  	v14 =	vadd.s32 s30, v1;
	v11 =	vadd.s32 v11, v13  }
0x94: {  	vm6 =	vlt.s32 v14, v8;
	vm5 =	vge.s32 v14, v7;
	vm7 =	vgt.s32 v11, $0x0  }
0x95: {  	vm5 =	vmand vm5, vm6;
	vm6 =	vne.s32 v9, v10;
	v9 =	vnsel vm7, $0x0, v11  }
0x96: {  	s25 =	sadd.s32 $0x10, s25;
	v10 =	vshll.u32 v12, $0x9;
	vm5 =	vmand vm5, vm6;
	v9 =	vmin.u32 v9, $0x1FF  }
0x97: {  	v11 =	vld [tilespmem:s25+$0x0];
	v9 =	vor.u32 v10, v9;
	_ =	sdelay $0x1  }
.Ltmp2:
0x98: {  	(pc) =	sbr.rel @p0 .LBB2_8-.Ltmp2, $3  }
0x99: {  	_ =	sdelay $0x1  }
0x9a: {  	s28 =	sadd.s32 $0x10, s28;
	[tilespmem:v9+s16+$0x0] =	vst.idx.msk vm5, v11  }
0x9b: {  	s29 =	sadd.s32 $0x10, s29;
	v9 =	vld [tilespmem:s28+$0x0]  }
0x9c: {  	_ =	sdelay $0x3  }
0x9d: {  	s28 =	sadd.s32 $0x1, s26;
	v10 =	vsub.s32 v9, v6  }
0x9e: {  	v11 =	vadd.s32 s28, v1;
	v12 =	vmul.u32 $0x3FE1, v10;
	_ =	sdelay $0x1  }
0x9f: {  	v12 =	vshra.s32 v12, $0x17  }
0xa0: {  	vm5 =	vgt.s32 v12, $0x0  }
0xa1: {  	v12 =	vnsel vm5, $0x0, v12  }
0xa2: {  	v11 =	vld.idx.msk [tilespmem:v11+s15+$0x0], $0xffff;
	v12 =	vmin.u32 v12, $0x3F  }
0xa3: {  	v13 =	vmul.u32 $0xFFFFFDFF, v12  }
0xa4: {  	s31 =	sadd.s32 s26, s21  }
0xa5: {  	v14 =	vadd.s32 s31, v1;
	v10 =	vadd.s32 v10, v13  }
0xa6: {  	vm6 =	vlt.s32 v14, v8;
	vm5 =	vge.s32 v14, v7;
	vm7 =	vgt.s32 v10, $0x0  }
0xa7: {  	vm5 =	vmand vm5, vm6;
	vm6 =	vne.s32 v9, v11;
	v9 =	vnsel vm7, $0x0, v10  }
0xa8: {  	s25 =	sadd.s32 $0x10, s25;
	s24 =	sadd.s32 $0x1, s24;
	vm5 =	vmand vm5, vm6;
	v10 =	vshll.u32 v12, $0x9;
	v9 =	vmin.u32 v9, $0x1FF  }
0xa9: {  	p0 =	sne.s32 s24, s22;
	v11 =	vld [tilespmem:s25+$0x0];
	v9 =	vor.u32 v10, v9  }
.Ltmp3:
0xaa: {  	_ = 	snop;
	(pc) =	sbr.rel @p0 .LBB2_7-.Ltmp3, $2  }
0xab: {  	_ =	sdelay $0x2  }
0xac: {  	s21 =	sadd.s32 $0x400, s21;
	[tilespmem:v9+s16+$0x0] =	vst.idx.msk vm5, v11  }
.LBB2_10:
0xad: {  	v7 =	vnsel vm2, $0x0, v4  }
0xae: {  	(xrf0) =	vadd.scan.msk.s32 $0xffff, v7;
	_ =	sdelay $0x2  }
0xaf: {  	v7 =	vnsel vm3, $0x0, v4;
	_ =	sdelay $0x1  }
0xb0: {  	v8 =	vnsel vm4, $0x0, v5;
	(xrf0) =	vadd.scan.msk.s32 $0xffff, v7  }
0xb1: {  	v7, _, _ =	vpop (xrf0);
	(xrf0) =	vadd.scan.msk.s32 $0xffff, v8  }
0xb2: {  	(v2sf) =	vpush v7, $0xF;
	_ =	sdelay $0x3  }
0xb3: {  	v8, _, _ =	vpop (xrf0)  }
0xb4: {  	(v2sf) =	vpush v8, $0xF;
	v8, _, _ =	vpop (xrf0)  }
0xb5: {  	(v2sf) =	vpush v8, $0xF;
	_ =	sdelay $0x8  }
0xb6: {  	s20 =	spop (v2sf)  }
0xb7: {  	s21 =	sand.u32 $0x7, s20  }
0xb8: {  	s22 =	sshra.s32 s20, $0x1F;
	p0 =	slt.s32 s20, $0x1;
	p1 =	sne.s32 s21, $0x0  }
0xb9: {  	s30 =	sshrl.u32 s22, $0x1D;
	p0 =	por !p0, !p1  }
0xba: {  	s21 =	simm.s32 $0x1;
	s20 =	sadd.s32 s30, s20;
	p0 =	por !p0, !p0  }
0xbb: {  	s23 =	spop (v2sf);
	s22 =	sshra.s32 s20, $0x3;
	s21 =	simm.s32 @!p0 $0x0  }
0xbc: {  	s31 =	spop (v2sf);
	s21 =	ssub.s32 s22, s21  }
0xbd: {  	s23 =	sadd.s32 s31, s23;
	s20 =	sshll.u32 s21, $0x3  }
0xbe: {  	s21 =	ssub.s32 s23, s20  }
0xbf: {  	s21 =	sadd.s32 $0x3FF, s21  }
0xc0: {  	p1 =	sgt.s32 s21, $0x0  }
0xc1: {  	p2 =	slt.s32 s21, $0x1;
	s21 =	simm.s32 @!p1 $0x0  }
0xc2: {  	s24 =	sand.u32 $0x3FF, s21  }
0xc3: {  	p6 =	sne.s32 s24, $0x0  }
0xc4: {  	p1 =	por !p2, !p6  }
0xc5: {  	s24 =	simm.s32 $0x1;
	p1 =	por !p1, !p1  }
0xc6: {  	s21 =	sshrl.u32 s21, $0xA;
	s24 =	simm.s32 @!p1 $0x0  }
0xc7: {  	s21 =	ssub.s32 s21, s24  }
0xc8: {  	p1 =	slt.s32 s21, $0x1  }
.Ltmp4:
0xc9: {  	_ = 	snop;
	(pc) =	sbr.rel @p1 .LBB2_15-.Ltmp4, $1  }
0xca: {  	_ =	sdelay $0x3  }
0xcb: {  	s24 =	simm.s32 $0xFFFFFFFF  }
0xcc: {  	s24 =	simm.s32 @!p0 $0x0  }
0xcd: {  	s22 =	sshll.u32 s22, $0x3;
	s24 =	sshll.u32 s24, $0x3  }
0xce: {  	v7 =	vbroadcast v7, $0xF;
	v8 =	vmov s23;
	s23 =	simm.s32 $0x0;
	s22 =	sadd.s32 s24, s22;
	s24 =	simm.s32 $0x0  }
.LBB2_12:
0xcf: {  	s25 =	sshll.u32 s24, $0xA  }
0xd0: {  	s25 =	sadd.s32 s20, s25  }
0xd1: {  	s25 =	sshrl.u32 s25, $0x3  }
0xd2: {  	s28 =	simm.s32 $0x8030;
	s26 =	sadd.s32 s3, s25  }
0xd3: {  	[tilespmem:s28], [sflag:$0x2] =	stream.linear.gather [hbm4b:s26+s23], $0x410, $0x38;
	[tilespmem:$0x8850] =	vst v63  }
0xd4: {  	_ =	swait.ge [sflag:s12], $0x410  }
0xd5: {  	[sflag:s12] =	ssyncset.done $0x0  }
0xd6: {  	s31 =	sadd.s32 s7, s25;
	s25 =	simm.s32 $0x8440;
	[sflag:s12] =	ssyncadd.s32 $0xFFFFFBF0  }
0xd7: {  	[tilespmem:s25], [sflag:$0x2] =	stream.linear.gather [hbm4b:s31+s23], $0x410, $0x38;
	[tilespmem:$0x8850] =	vst v63  }
0xd8: {  	_ =	swait.ge [sflag:s12], $0x410  }
0xd9: {  	[sflag:s12] =	ssyncset.done $0x0  }
0xda: {  	[sflag:s12] =	ssyncadd.s32 $0xFFFFFBF0  }
0xdb: {  	v9 =	vld [tilespmem:s28+$0x0];
	_ =	sdelay $0x4  }
0xdc: {  	s30 =	simm.s32 $0x1;
	v10 =	vsub.s32 v9, v6  }
0xdd: {  	v11 =	vadd.s32 s30, v1;
	v12 =	vmul.u32 $0x3FE1, v10;
	_ =	sdelay $0x1  }
0xde: {  	v12 =	vshra.s32 v12, $0x17  }
0xdf: {  	vm2 =	vgt.s32 v12, $0x0  }
0xe0: {  	v12 =	vnsel vm2, $0x0, v12  }
0xe1: {  	v11 =	vld.idx.msk [tilespmem:v11+s15+$0x0], $0xffff;
	v12 =	vmin.u32 v12, $0x3F  }
0xe2: {  	v13 =	vmul.u32 $0xFFFFFDFF, v12  }
0xe3: {  	s31 =	sadd.s32 $0x0, s22  }
0xe4: {  	v14 =	vadd.s32 s31, v1;
	v10 =	vadd.s32 v10, v13  }
0xe5: {  	vm3 =	vlt.s32 v14, v8;
	vm2 =	vge.s32 v14, v7;
	vm4 =	vgt.s32 v10, $0x0  }
0xe6: {  	vm2 =	vmand vm2, vm3;
	vm3 =	vne.s32 v9, v11;
	v9 =	vnsel vm4, $0x0, v10  }
0xe7: {  	vm2 =	vmand vm2, vm3;
	v10 =	vshll.u32 v12, $0x9;
	v9 =	vmin.u32 v9, $0x1FF  }
0xe8: {  	v11 =	vld [tilespmem:s25+$0x0];
	v9 =	vor.u32 v10, v9;
	_ =	sdelay $0x4  }
0xe9: {  	s28 =	simm.s32 $0x8040;
	[tilespmem:v9+s16+$0x0] =	vst.idx.msk vm2, v11  }
0xea: {  	s29 =	simm.s32 $0x20;
	s26 =	simm.s32 $0x10;
	v9 =	vld [tilespmem:s28+$0x0]  }
.LBB2_13:
0xeb: {  	p0 =	sne.s32 s29, $0x3F0;
	_ =	sdelay $0x2  }
0xec: {  	s30 =	sadd.s32 $0x1, s26  }
0xed: {  	v10 =	vadd.s32 s30, v1;
	v11 =	vsub.s32 v9, v6  }
0xee: {  	v12 =	vmul.u32 $0x3FE1, v11;
	_ =	sdelay $0x1  }
0xef: {  	v12 =	vshra.s32 v12, $0x17  }
0xf0: {  	vm2 =	vgt.s32 v12, $0x0  }
0xf1: {  	v10 =	vld.idx.msk [tilespmem:v10+s15+$0x0], $0xffff;
	v12 =	vnsel vm2, $0x0, v12  }
0xf2: {  	v12 =	vmin.u32 v12, $0x3F  }
0xf3: {  	v13 =	vmul.u32 $0xFFFFFDFF, v12  }
0xf4: {  	s30 =	sadd.s32 s26, s22;
	s26 =	smov.u32 s29  }
0xf5: {  	v14 =	vadd.s32 s30, v1;
	v11 =	vadd.s32 v11, v13  }
0xf6: {  	vm3 =	vlt.s32 v14, v8;
	vm2 =	vge.s32 v14, v7;
	vm4 =	vgt.s32 v11, $0x0  }
0xf7: {  	vm2 =	vmand vm2, vm3;
	vm3 =	vne.s32 v9, v10;
	v9 =	vnsel vm4, $0x0, v11  }
0xf8: {  	s25 =	sadd.s32 $0x10, s25;
	v10 =	vshll.u32 v12, $0x9;
	vm2 =	vmand vm2, vm3;
	v9 =	vmin.u32 v9, $0x1FF  }
0xf9: {  	v11 =	vld [tilespmem:s25+$0x0];
	v9 =	vor.u32 v10, v9;
	_ =	sdelay $0x1  }
.Ltmp5:
0xfa: {  	(pc) =	sbr.rel @p0 .LBB2_13-.Ltmp5, $3  }
0xfb: {  	_ =	sdelay $0x1  }
0xfc: {  	s28 =	sadd.s32 $0x10, s28;
	[tilespmem:v9+s16+$0x0] =	vst.idx.msk vm2, v11  }
0xfd: {  	s29 =	sadd.s32 $0x10, s29;
	v9 =	vld [tilespmem:s28+$0x0]  }
0xfe: {  	_ =	sdelay $0x3  }
0xff: {  	s28 =	sadd.s32 $0x1, s26;
	v10 =	vsub.s32 v9, v6  }
0x100: {  	v11 =	vadd.s32 s28, v1;
	v12 =	vmul.u32 $0x3FE1, v10;
	_ =	sdelay $0x1  }
0x101: {  	v12 =	vshra.s32 v12, $0x17  }
0x102: {  	vm2 =	vgt.s32 v12, $0x0  }
0x103: {  	v12 =	vnsel vm2, $0x0, v12  }
0x104: {  	v11 =	vld.idx.msk [tilespmem:v11+s15+$0x0], $0xffff;
	v12 =	vmin.u32 v12, $0x3F  }
0x105: {  	v13 =	vmul.u32 $0xFFFFFDFF, v12  }
0x106: {  	s31 =	sadd.s32 s26, s22  }
0x107: {  	v14 =	vadd.s32 s31, v1;
	v10 =	vadd.s32 v10, v13  }
0x108: {  	vm3 =	vlt.s32 v14, v8;
	vm2 =	vge.s32 v14, v7;
	vm4 =	vgt.s32 v10, $0x0  }
0x109: {  	vm2 =	vmand vm2, vm3;
	vm3 =	vne.s32 v9, v11;
	v9 =	vnsel vm4, $0x0, v10  }
0x10a: {  	s25 =	sadd.s32 $0x10, s25;
	s24 =	sadd.s32 $0x1, s24;
	vm2 =	vmand vm2, vm3;
	v10 =	vshll.u32 v12, $0x9;
	v9 =	vmin.u32 v9, $0x1FF  }
0x10b: {  	p0 =	seq.s32 s24, s21;
	v11 =	vld [tilespmem:s25+$0x0];
	v9 =	vor.u32 v10, v9  }
.Ltmp6:
0x10c: {  	_ = 	snop;
	(pc) =	sbr.rel @!p0 .LBB2_12-.Ltmp6, $2  }
0x10d: {  	_ =	sdelay $0x2  }
0x10e: {  	s22 =	sadd.s32 $0x400, s22;
	[tilespmem:v9+s16+$0x0] =	vst.idx.msk vm2, v11  }
.LBB2_15:
0x10f: {  	s20 =	simm.s32 $0x0;
	s21 =	smov.u32 s18  }
.LBB2_16:
0x110: {  	p0 =	sne.s32 s20, $0x1F800  }
.Ltmp7:
0x111: {  	_ = 	snop;
	(pc) =	sbr.rel @p0 .LBB2_16-.Ltmp7, $4  }
0x112: {  	s22 =	sshra.s32 s20, $0x2  }
0x113: {  	s22 =	sadd.s32 $0x30, s22  }
0x114: {  	[hbm4b:s21+s4] =	stream.linear.scatter [tilespmem:s22], [sflag:$0x1], $0x200, $0x38;
	[tilespmem:$0x8850] =	vst v63  }
0x115: {  	s20 =	sadd.s32 $0x800, s20;
	s21 =	sadd.s32 $0x8000, s21  }
0x116: {  	_ =	swait.ge [sflag:s14], $0x200  }
0x117: {  	s20 =	simm.s32 $0x3F;
	[sflag:s14] =	ssyncset.done $0x0  }
.LBB2_18:
0x118: {  	p0 =	seq.s32 s20, $0x1;
	s20 =	sadd.s32 $0xFFFFFFFF, s20;
	[sflag:s14] =	ssyncadd.s32 $0xFFFFFE00  }
.Ltmp8:
0x119: {  	(pc) =	sbr.rel @!p0 .LBB2_18-.Ltmp8, $3  }
0x11a: {  	_ =	sdelay $0x1  }
0x11b: {  	_ =	swait.ge [sflag:s14], $0x200  }
0x11c: {  	[sflag:s14] =	ssyncset.done $0x0  }
0x11d: {  	[sflag:s14] =	ssyncadd.s32 $0xFFFFFE00  }
0x11e: {  	p0 =	seq.s32 s19, $0x10  }
.Ltmp9:
0x11f: {  	_ = 	snop;
	(pc) =	sbr.rel @!p0 .LBB2_3-.Ltmp9, $2  }
0x120: {  	_ =	sdelay $0x2  }
0x121: {  	s18 =	sadd.s32 $0x40, s18  }
0x122: {  	s17 =	sadd.s32 $0x1, s17  }
0x123: {  	p0 =	sne.s32 s17, s10  }
.Ltmp10:
0x124: {  	_ = 	snop;
	(pc) =	sbr.rel @p0 .LBB2_1-.Ltmp10, $1  }
0x125: {  	_ =	sdelay $0x3  }
0x126: {  	_ =	sfence.sel $0x180000  }
0x127: {  	[bflag:$0x0] =	sbarrier.arrive $0xFFFF  }
0x128: {  	p0 =	sne.s32 s2, $0x0;
	_ =	strace $0x9000004A  }
0x129: {  	s0 =	sadd.s32 @!p0 $0x100000, s0;
	[bflag:$0x2] =	sbarrier.arrive $0xFFFF  }
0x12a: {  	[sflag:s0] =	ssyncadd.tile.s32 @!p0 $0x1;
	_ =	shalt  }
.Lfunc_end2:
_tile_overlayer_lowered:
.L_overlay_start_2:
0x12b: {  	(tag) =	ssettag $0x2  }
0x12c: {  	s0 =	rddreg [dreg:$0x0];
	s2 =	stileid.u32  }
0x12d: {  	s1 =	rddreg [dreg:$0x1];
	p0 =	sne.s32 s2, $0x0  }
0x12e: {  	s3 =	rddreg [dreg:$0x2];
	[bflag:$0x3] =	sbarrier.arrive $0xFFFF;
	s2 =	simm.s32 @!p0 $0x1C02  }
0x12f: {  	[timem:s3], [sflag:s2] =	dma.local @!p0 [hbm:s0], s1  }
0x130: {  	s0 =	simm.s32 @!p0 $0x2  }
0x131: {  	_ =	swait.ge @!p0 [sflag:s0], s1  }
0x132: {  	s1 =	ssub.s32 @!p0 $0x0, s1;
	[sflag:s0] =	ssyncset.done @!p0 $0x0  }
0x133: {  	[sflag:s0] =	ssyncadd.s32 @!p0 s1  }
0x134: {  	[bflag:$0x3] =	sbarrier.arrive $0xFFFF  }
0x135: {  	_ =	shalt  }

</sc_bundles>
